<compile_context>
chip_gen: v7x
topology: tpu7x:2x2x1
jax: 0.10.2.dev20260603
libtpu: 0.0.44.dev20260713+nightly
codegen_flags: <defaults>
</compile_context>

<pallas_src>
import functools

import jax
import jax.numpy as jnp
from jax import lax
from jax.experimental import pallas as pl
from jax.experimental.pallas import tpu as pltpu
from jax.experimental.pallas import tpu_sc as plsc

_N = 2048
_LANES = 16
_NC = 2
_NS = 16
_NW = _NC * _NS
_SC_ROWS = 256
_ROWS_PER_W = _SC_ROWS // _NW
_MCHUNKS = _N // _LANES
_HT2 = (0.125, 0.5, 2.0, 8.0)

_TC_BLK = 256


def _sc_body(pred_hbm, true_hbm, mask_hbm, out_hbm,
             rawp, rawt, predc, truec, maskc, stage):
    c = lax.axis_index("c")
    s = lax.axis_index("s")
    wid = s * _NC + c
    row0 = wid * _ROWS_PER_W

    pltpu.sync_copy(pred_hbm, rawp)
    pltpu.sync_copy(true_hbm, rawt)
    pltpu.sync_copy(mask_hbm.at[pl.ds(row0, _ROWS_PER_W), :], maskc)

    iota3 = lax.iota(jnp.int32, _LANES) * 3

    def transpose_body(g, carry):
        base = g * (3 * _LANES)
        for d in range(3):
            truec[pl.ds(d * _N + g * _LANES, _LANES)] = plsc.load_gather(
                rawt, [iota3 + (base + d)]
            )
        for smp in range(5):
            for d in range(3):
                predc[pl.ds((smp * 3 + d) * _N + g * _LANES, _LANES)] = (
                    plsc.load_gather(
                        rawp, [iota3 + (smp * 3 * _N + base + d)]
                    )
                )
        return carry

    lax.fori_loop(0, _MCHUNKS, transpose_body, 0)

    zero16 = jnp.zeros((_LANES,), jnp.int32)

    def row_body(r, carry1):
        l3 = (row0 + r) * 3
        lf = jnp.full((_LANES,), l3, jnp.int32)
        txl = plsc.load_gather(rawt, [lf])
        tyl = plsc.load_gather(rawt, [lf + 1])
        tzl = plsc.load_gather(rawt, [lf + 2])
        psplat = []
        for smp in range(5):
            for d in range(3):
                psplat.append(
                    plsc.load_gather(rawp, [lf + (smp * 3 * _N + d)])
                )

        def m_body(mc, carry2):
            accs, npv = carry2
            o = mc * _LANES
            mv = maskc[r, pl.ds(o, _LANES)]
            txm = truec[pl.ds(o, _LANES)]
            tym = truec[pl.ds(_N + o, _LANES)]
            tzm = truec[pl.ds(2 * _N + o, _LANES)]
            dx = txm - txl
            dy = tym - tyl
            dz = tzm - tzl
            b = dx * dx + dy * dy + dz * dz
            new_accs = []
            for smp in range(5):
                pxm = predc[pl.ds((smp * 3 + 0) * _N + o, _LANES)]
                pym = predc[pl.ds((smp * 3 + 1) * _N + o, _LANES)]
                pzm = predc[pl.ds((smp * 3 + 2) * _N + o, _LANES)]
                ex = pxm - psplat[smp * 3 + 0]
                ey = pym - psplat[smp * 3 + 1]
                ez = pzm - psplat[smp * 3 + 2]
                a = ex * ex + ey * ey + ez * ez
                h = 0.5 * (a + b)
                p = a * b
                cnt = accs[smp]
                for ht in _HT2:
                    amt = h - ht
                    cond = amt * jnp.abs(amt) < p
                    cnt = cnt + jnp.where(cond, mv, 0)
                new_accs.append(cnt)
            return (tuple(new_accs), npv + mv)

        return lax.fori_loop(0, _MCHUNKS, m_body, carry1)

    accs, npv = lax.fori_loop(
        0, _ROWS_PER_W, row_body, ((zero16,) * 5, zero16)
    )

    for smp in range(5):
        stage[smp, :] = accs[smp].astype(jnp.float32)
    stage[5, :] = npv.astype(jnp.float32)
    stage[6, :] = jnp.zeros((_LANES,), jnp.float32)
    stage[7, :] = jnp.zeros((_LANES,), jnp.float32)
    pltpu.sync_copy(stage, out_hbm.at[wid])


def _tc_body(pred_l_ref, pred_m_ref, true_l_ref, true_m_ref, mask_ref, out_ref):
    i = pl.program_id(0)

    @pl.when(i == 0)
    def _init():
        out_ref[...] = jnp.zeros_like(out_ref)

    n_sample = pred_l_ref.shape[0]

    txl = true_l_ref[:, 0:1]
    tyl = true_l_ref[:, 1:2]
    tzl = true_l_ref[:, 2:3]
    txm = true_m_ref[0:1, :]
    tym = true_m_ref[1:2, :]
    tzm = true_m_ref[2:3, :]
    dx = txl - txm
    dy = tyl - tym
    dz = tzl - tzm
    dt = jnp.sqrt(dx * dx + dy * dy + dz * dz)

    maskf = mask_ref[...].astype(jnp.float32)
    out_ref[n_sample : n_sample + 1, 0:1] = out_ref[
        n_sample : n_sample + 1, 0:1
    ] + jnp.sum(maskf).reshape(1, 1)

    dtp = dt + (1.0 - maskf) * 1e30
    kc = jnp.int32(0x40FFFFFF)

    for s in range(n_sample):
        pxl = pred_l_ref[s, :, 0:1]
        pyl = pred_l_ref[s, :, 1:2]
        pzl = pred_l_ref[s, :, 2:3]
        pxm = pred_m_ref[s, 0:1, :]
        pym = pred_m_ref[s, 1:2, :]
        pzm = pred_m_ref[s, 2:3, :]
        ex = pxl - pxm
        ey = pyl - pym
        ez = pzl - pzm
        dp = jnp.sqrt(ex * ex + ey * ey + ez * ez)
        err = jnp.abs(dp - dtp)
        u = lax.bitcast_convert_type(err, jnp.int32)
        cnt = jnp.clip((kc - u) >> 23, 0, 4)
        ssum = jnp.sum(cnt.astype(jnp.float32))
        out_ref[s : s + 1, 0:1] = out_ref[s : s + 1, 0:1] + ssum.reshape(1, 1)


def kernel(pred_coordinate, true_coordinate, lddt_mask):
    n_sample = pred_coordinate.shape[0]
    pred_flat = pred_coordinate.reshape(-1)
    true_flat = true_coordinate.reshape(-1)
    pred_t = jnp.transpose(pred_coordinate, (0, 2, 1))
    true_t = true_coordinate.T

    mesh = plsc.VectorSubcoreMesh(core_axis_name="c", subcore_axis_name="s")
    sck = functools.partial(
        pl.kernel,
        out_type=jax.ShapeDtypeStruct((_NW, 8, _LANES), jnp.float32),
        mesh=mesh,
        scratch_types=[
            pltpu.VMEM((15 * _N,), jnp.float32),
            pltpu.VMEM((3 * _N,), jnp.float32),
            pltpu.VMEM((15 * _N,), jnp.float32),
            pltpu.VMEM((3 * _N,), jnp.float32),
            pltpu.VMEM((_ROWS_PER_W, _N), jnp.int32),
            pltpu.VMEM((8, _LANES), jnp.float32),
        ],
        compiler_params=pltpu.CompilerParams(needs_layout_passes=False),
    )(_sc_body)

    sc_parts = sck(pred_flat, true_flat, lddt_mask)

    n_tc_blocks = (_N - _SC_ROWS) // _TC_BLK
    blk0 = _SC_ROWS // _TC_BLK
    tc_out = pl.pallas_call(
        _tc_body,
        grid=(n_tc_blocks,),
        in_specs=[
            pl.BlockSpec((n_sample, _TC_BLK, 3), lambda i: (0, i + blk0, 0)),
            pl.BlockSpec((n_sample, 3, _N), lambda i: (0, 0, 0)),
            pl.BlockSpec((_TC_BLK, 3), lambda i: (i + blk0, 0)),
            pl.BlockSpec((3, _N), lambda i: (0, 0)),
            pl.BlockSpec((_TC_BLK, _N), lambda i: (i + blk0, 0)),
        ],
        out_specs=pl.BlockSpec((8, 128), lambda i: (0, 0)),
        out_shape=jax.ShapeDtypeStruct((8, 128), jnp.float32),
    )(pred_coordinate, pred_t, true_coordinate, true_t, lddt_mask)

    sc_sums = jnp.sum(sc_parts, axis=(0, 2))
    sums = sc_sums[: n_sample + 1] + tc_out[: n_sample + 1, 0]
    return 0.25 * sums[:n_sample] / sums[n_sample]

# --- scband reference (transcript-rebuilt; emitter-appended) ---
"""Pipeline reference for scband-lddtmetrics-84817014161962 (READ-ONLY COPY).

The authoritative reference and input builder live on the scoring server;
editing this copy changes nothing except your own understanding.
"""

import jax, jax.numpy as jnp
import numpy as np


def setup_inputs(seed: int = 0) -> dict:
    key = jax.random.key(seed)
    k1, k2, k3 = jax.random.split(key, 3)
    N_sample, N_atom = 5, 2048
    pred_coordinate = jax.random.normal(k1, (N_sample, N_atom, 3), dtype=jnp.float32) * 5.0
    true_coordinate = jax.random.normal(k2, (N_atom, 3), dtype=jnp.float32) * 5.0
    lddt_mask = jax.random.randint(k3, (N_atom, N_atom), 0, 2, dtype=jnp.int32)
    # remove self-pairs (matches compute_lddt_mask which zeros the diagonal);
    # also avoids degenerate zero-distance pairs
    lddt_mask = lddt_mask * (1 - jnp.eye(N_atom, dtype=jnp.int32))
    return {
        "pred_coordinate": pred_coordinate,
        "true_coordinate": true_coordinate,
        "lddt_mask": lddt_mask,
    }


def reference(pred_coordinate, true_coordinate, lddt_mask):
    # LDDT.forward (complex-level lddt), chunk_size=None path
    # _calc_sparse_dist: dense all-pairs distances along atom axis
    pred_coords_l = pred_coordinate[..., :, None, :]
    pred_coords_m = pred_coordinate[..., None, :, :]
    true_coords_l = true_coordinate[..., :, None, :]
    true_coords_m = true_coordinate[..., None, :, :]
    pred_distance_lm = jnp.linalg.norm(pred_coords_l - pred_coords_m, axis=-1)
    true_distance_lm = jnp.linalg.norm(true_coords_l - true_coords_m, axis=-1)
    # _chunk_base_forward
    distance_error_l1 = jnp.abs(pred_distance_lm - true_distance_lm)
    thresholds = [0.5, 1.0, 2.0, 4.0]
    pair_lddt = jnp.stack(
        [(distance_error_l1 < t) for t in thresholds], axis=-1
    ).astype(distance_error_l1.dtype).mean(axis=-1)
    mask = lddt_mask.astype(pair_lddt.dtype)
    num_pairs = jnp.sum(mask)
    lddt = jnp.sum(pair_lddt * mask, axis=(-2, -1)) / num_pairs
    return lddt

if __name__ == "__main__":
    import jax
    _d = setup_inputs()
    print(jax.jit(kernel)(*tuple(_d.values())))

</pallas_src>

<mosaic_0001>
#map = affine_map<(d0, d1) -> (0)>
#map1 = affine_map<(d0, d1) -> (0, 0)>
#map2 = affine_map<(d0, d1) -> (0, 0, 0)>
module attributes {stable_mosaic.version = 14 : i64} {
  func.func @_sc_body(%arg0: i32, %arg1: i32, %arg2: memref<30720xf32, #tpu.memory_space<hbm>>, %arg3: memref<6144xf32, #tpu.memory_space<hbm>>, %arg4: memref<2048x2048xi32, #tpu.memory_space<hbm>>, %arg5: memref<32x8x16xf32, #tpu.memory_space<hbm>>, %arg6: memref<30720xf32, #tpu.memory_space<vmem>>, %arg7: memref<6144xf32, #tpu.memory_space<vmem>>, %arg8: memref<30720xf32, #tpu.memory_space<vmem>>, %arg9: memref<6144xf32, #tpu.memory_space<vmem>>, %arg10: memref<8x2048xi32, #tpu.memory_space<vmem>>, %arg11: memref<8x16xf32, #tpu.memory_space<vmem>>) attributes {dimension_semantics = [#tpu.dimension_semantics<core_parallel>, #tpu.dimension_semantics<subcore_parallel>], iteration_bounds = array<i64: 2, 16>, scalar_prefetch = 0 : i64, scratch_operands = 6 : i64, tpu.core_type = #tpu.core_type<sc_vector_subcore>, window_params = [{transform_indices = #map}, {transform_indices = #map}, {transform_indices = #map1}, {transform_indices = #map2}]} {
    %mul3A = arith.constant 2 : i32
    %mul3A_0 = arith.muli %arg1, %mul3A : i32
    %add3A = arith.addi %mul3A_0, %arg0 : i32
    %mul3A_1 = arith.constant 8 : i32
    %mul3A_2 = arith.muli %add3A, %mul3A_1 : i32
    "tpu.region"() ({
      %run_scoped3A = tpu.sem_alloc : memref<!tpu.dma_semaphore, #tpu.memory_space<semaphore_mem>>
      tpu.enqueue_dma source(%arg2 : memref<30720xf32, #tpu.memory_space<hbm>>) target(%arg6 : memref<30720xf32, #tpu.memory_space<vmem>>) target_semaphore(%run_scoped3A : memref<!tpu.dma_semaphore, #tpu.memory_space<semaphore_mem>>)
      tpu.wait_dma2 semaphore(%run_scoped3A : memref<!tpu.dma_semaphore, #tpu.memory_space<semaphore_mem>>) src(%arg2 : memref<30720xf32, #tpu.memory_space<hbm>>) dst(%arg6 : memref<30720xf32, #tpu.memory_space<vmem>>)
      tpu.yield
    }) : () -> ()
    "tpu.region"() ({
      %run_scoped3A = tpu.sem_alloc : memref<!tpu.dma_semaphore, #tpu.memory_space<semaphore_mem>>
      tpu.enqueue_dma source(%arg3 : memref<6144xf32, #tpu.memory_space<hbm>>) target(%arg7 : memref<6144xf32, #tpu.memory_space<vmem>>) target_semaphore(%run_scoped3A : memref<!tpu.dma_semaphore, #tpu.memory_space<semaphore_mem>>)
      tpu.wait_dma2 semaphore(%run_scoped3A : memref<!tpu.dma_semaphore, #tpu.memory_space<semaphore_mem>>) src(%arg3 : memref<6144xf32, #tpu.memory_space<hbm>>) dst(%arg7 : memref<6144xf32, #tpu.memory_space<vmem>>)
      tpu.yield
    }) : () -> ()
    "tpu.region"() ({
      %run_scoped3A = tpu.sem_alloc : memref<!tpu.dma_semaphore, #tpu.memory_space<semaphore_mem>>
      %dma_start3A = arith.constant 0 : i32
      %dma_start3A_58 = tpu.memref_slice %arg4[%mul3A_2, %dma_start3A] : memref<2048x2048xi32, #tpu.memory_space<hbm>> -> memref<8x2048xi32, #tpu.memory_space<hbm>>
      %dma_start3A_59 = arith.constant 0 : i32
      %dma_start3A_60 = tpu.memref_slice %arg4[%mul3A_2, %dma_start3A_59] : memref<2048x2048xi32, #tpu.memory_space<hbm>> -> memref<8x2048xi32, #tpu.memory_space<hbm>>
      tpu.enqueue_dma source(%dma_start3A_60 : memref<8x2048xi32, #tpu.memory_space<hbm>>) target(%arg10 : memref<8x2048xi32, #tpu.memory_space<vmem>>) target_semaphore(%run_scoped3A : memref<!tpu.dma_semaphore, #tpu.memory_space<semaphore_mem>>)
      %dma_wait3A = arith.constant 0 : i32
      %dma_wait3A_61 = tpu.memref_slice %arg4[%mul3A_2, %dma_wait3A] : memref<2048x2048xi32, #tpu.memory_space<hbm>> -> memref<8x2048xi32, #tpu.memory_space<hbm>>
      %dma_wait3A_62 = arith.constant 0 : i32
      %dma_wait3A_63 = tpu.memref_slice %arg4[%mul3A_2, %dma_wait3A_62] : memref<2048x2048xi32, #tpu.memory_space<hbm>> -> memref<8x2048xi32, #tpu.memory_space<hbm>>
      tpu.wait_dma2 semaphore(%run_scoped3A : memref<!tpu.dma_semaphore, #tpu.memory_space<semaphore_mem>>) src(%dma_wait3A_63 : memref<8x2048xi32, #tpu.memory_space<hbm>>) dst(%arg10 : memref<8x2048xi32, #tpu.memory_space<vmem>>)
      tpu.yield
    }) : () -> ()
    %iota3A = tpu.iota {dimensions = array<i32: 0>} : vector<16xi32>
    %mul3A_3 = arith.constant 3 : i32
    %mul3A_4 = vector.broadcast %mul3A_3 : i32 to vector<16xi32>
    %mul3A_5 = arith.muli %iota3A, %mul3A_4 : vector<16xi32>
    %scan3A = arith.constant 0 : i32
    %scan3A_6 = arith.constant 0 : i32
    %scan3A_7 = arith.constant 128 : i32
    %scan3A_8 = arith.addi %scan3A_6, %scan3A_7 : i32
    %scan3A_9 = arith.constant 1 : i32
    scf.for %scan3A_58 = %scan3A_6 to %scan3A_8 step %scan3A_9  : i32 {
      %mul3A_59 = arith.constant 48 : i32
      %mul3A_60 = arith.muli %scan3A_58, %mul3A_59 : i32
      %add3A_61 = arith.constant 0 : i32
      %add3A_62 = arith.addi %mul3A_60, %add3A_61 : i32
      %add3A_63 = vector.broadcast %add3A_62 : i32 to vector<16xi32>
      %add3A_64 = arith.addi %mul3A_5, %add3A_63 : vector<16xi32>
      %gather3A = tpu.vector_load_idx %arg7[%add3A_64] : memref<6144xf32, #tpu.memory_space<vmem>>[vector<16xi32>], vector<16xf32>,
      %mul3A_65 = arith.constant 16 : i32
      %mul3A_66 = arith.muli %scan3A_58, %mul3A_65 : i32
      %add3A_67 = arith.constant 0 : i32
      %add3A_68 = arith.addi %add3A_67, %mul3A_66 : i32
      %swap3A_69 = arith.index_cast %add3A_68 : i32 to index
      %swap3A_70 = tpu.vector_load %arg9[%swap3A_69] {strides = array<i32>} : memref<6144xf32, #tpu.memory_space<vmem>>, vector<16xf32>,
      tpu.vector_store %arg9[%swap3A_69], %gather3A {strides = array<i32>} : memref<6144xf32, #tpu.memory_space<vmem>>, vector<16xf32>,
      %add3A_71 = arith.constant 1 : i32
      %add3A_72 = arith.addi %mul3A_60, %add3A_71 : i32
      %add3A_73 = vector.broadcast %add3A_72 : i32 to vector<16xi32>
      %add3A_74 = arith.addi %mul3A_5, %add3A_73 : vector<16xi32>
      %gather3A_75 = tpu.vector_load_idx %arg7[%add3A_74] : memref<6144xf32, #tpu.memory_space<vmem>>[vector<16xi32>], vector<16xf32>,
      %mul3A_76 = arith.constant 16 : i32
      %mul3A_77 = arith.muli %scan3A_58, %mul3A_76 : i32
      %add3A_78 = arith.constant 2048 : i32
      %add3A_79 = arith.addi %add3A_78, %mul3A_77 : i32
      %swap3A_80 = arith.index_cast %add3A_79 : i32 to index
      %swap3A_81 = tpu.vector_load %arg9[%swap3A_80] {strides = array<i32>} : memref<6144xf32, #tpu.memory_space<vmem>>, vector<16xf32>,
      tpu.vector_store %arg9[%swap3A_80], %gather3A_75 {strides = array<i32>} : memref<6144xf32, #tpu.memory_space<vmem>>, vector<16xf32>,
      %add3A_82 = arith.constant 2 : i32
      %add3A_83 = arith.addi %mul3A_60, %add3A_82 : i32
      %add3A_84 = vector.broadcast %add3A_83 : i32 to vector<16xi32>
      %add3A_85 = arith.addi %mul3A_5, %add3A_84 : vector<16xi32>
      %gather3A_86 = tpu.vector_load_idx %arg7[%add3A_85] : memref<6144xf32, #tpu.memory_space<vmem>>[vector<16xi32>], vector<16xf32>,
      %mul3A_87 = arith.constant 16 : i32
      %mul3A_88 = arith.muli %scan3A_58, %mul3A_87 : i32
      %add3A_89 = arith.constant 4096 : i32
      %add3A_90 = arith.addi %add3A_89, %mul3A_88 : i32
      %swap3A_91 = arith.index_cast %add3A_90 : i32 to index
      %swap3A_92 = tpu.vector_load %arg9[%swap3A_91] {strides = array<i32>} : memref<6144xf32, #tpu.memory_space<vmem>>, vector<16xf32>,
      tpu.vector_store %arg9[%swap3A_91], %gather3A_86 {strides = array<i32>} : memref<6144xf32, #tpu.memory_space<vmem>>, vector<16xf32>,
      %add3A_93 = arith.constant 0 : i32
      %add3A_94 = arith.addi %add3A_93, %mul3A_60 : i32
      %add3A_95 = arith.constant 0 : i32
      %add3A_96 = arith.addi %add3A_94, %add3A_95 : i32
      %add3A_97 = vector.broadcast %add3A_96 : i32 to vector<16xi32>
      %add3A_98 = arith.addi %mul3A_5, %add3A_97 : vector<16xi32>
      %gather3A_99 = tpu.vector_load_idx %arg6[%add3A_98] : memref<30720xf32, #tpu.memory_space<vmem>>[vector<16xi32>], vector<16xf32>,
      %mul3A_100 = arith.constant 16 : i32
      %mul3A_101 = arith.muli %scan3A_58, %mul3A_100 : i32
      %add3A_102 = arith.constant 0 : i32
      %add3A_103 = arith.addi %add3A_102, %mul3A_101 : i32
      %swap3A_104 = arith.index_cast %add3A_103 : i32 to index
      %swap3A_105 = tpu.vector_load %arg8[%swap3A_104] {strides = array<i32>} : memref<30720xf32, #tpu.memory_space<vmem>>, vector<16xf32>,
      tpu.vector_store %arg8[%swap3A_104], %gather3A_99 {strides = array<i32>} : memref<30720xf32, #tpu.memory_space<vmem>>, vector<16xf32>,
      %add3A_106 = arith.constant 0 : i32
      %add3A_107 = arith.addi %add3A_106, %mul3A_60 : i32
      %add3A_108 = arith.constant 1 : i32
      %add3A_109 = arith.addi %add3A_107, %add3A_108 : i32
      %add3A_110 = vector.broadcast %add3A_109 : i32 to vector<16xi32>
      %add3A_111 = arith.addi %mul3A_5, %add3A_110 : vector<16xi32>
      %gather3A_112 = tpu.vector_load_idx %arg6[%add3A_111] : memref<30720xf32, #tpu.memory_space<vmem>>[vector<16xi32>], vector<16xf32>,
      %mul3A_113 = arith.constant 16 : i32
      %mul3A_114 = arith.muli %scan3A_58, %mul3A_113 : i32
      %add3A_115 = arith.constant 2048 : i32
      %add3A_116 = arith.addi %add3A_115, %mul3A_114 : i32
      %swap3A_117 = arith.index_cast %add3A_116 : i32 to index
      %swap3A_118 = tpu.vector_load %arg8[%swap3A_117] {strides = array<i32>} : memref<30720xf32, #tpu.memory_space<vmem>>, vector<16xf32>,
      tpu.vector_store %arg8[%swap3A_117], %gather3A_112 {strides = array<i32>} : memref<30720xf32, #tpu.memory_space<vmem>>, vector<16xf32>,
      %add3A_119 = arith.constant 0 : i32
      %add3A_120 = arith.addi %add3A_119, %mul3A_60 : i32
      %add3A_121 = arith.constant 2 : i32
      %add3A_122 = arith.addi %add3A_120, %add3A_121 : i32
      %add3A_123 = vector.broadcast %add3A_122 : i32 to vector<16xi32>
      %add3A_124 = arith.addi %mul3A_5, %add3A_123 : vector<16xi32>
      %gather3A_125 = tpu.vector_load_idx %arg6[%add3A_124] : memref<30720xf32, #tpu.memory_space<vmem>>[vector<16xi32>], vector<16xf32>,
      %mul3A_126 = arith.constant 16 : i32
      %mul3A_127 = arith.muli %scan3A_58, %mul3A_126 : i32
      %add3A_128 = arith.constant 4096 : i32
      %add3A_129 = arith.addi %add3A_128, %mul3A_127 : i32
      %swap3A_130 = arith.index_cast %add3A_129 : i32 to index
      %swap3A_131 = tpu.vector_load %arg8[%swap3A_130] {strides = array<i32>} : memref<30720xf32, #tpu.memory_space<vmem>>, vector<16xf32>,
      tpu.vector_store %arg8[%swap3A_130], %gather3A_125 {strides = array<i32>} : memref<30720xf32, #tpu.memory_space<vmem>>, vector<16xf32>,
      %add3A_132 = arith.constant 6144 : i32
      %add3A_133 = arith.addi %add3A_132, %mul3A_60 : i32
      %add3A_134 = arith.constant 0 : i32
      %add3A_135 = arith.addi %add3A_133, %add3A_134 : i32
      %add3A_136 = vector.broadcast %add3A_135 : i32 to vector<16xi32>
      %add3A_137 = arith.addi %mul3A_5, %add3A_136 : vector<16xi32>
      %gather3A_138 = tpu.vector_load_idx %arg6[%add3A_137] : memref<30720xf32, #tpu.memory_space<vmem>>[vector<16xi32>], vector<16xf32>,
      %mul3A_139 = arith.constant 16 : i32
      %mul3A_140 = arith.muli %scan3A_58, %mul3A_139 : i32
      %add3A_141 = arith.constant 6144 : i32
      %add3A_142 = arith.addi %add3A_141, %mul3A_140 : i32
      %swap3A_143 = arith.index_cast %add3A_142 : i32 to index
      %swap3A_144 = tpu.vector_load %arg8[%swap3A_143] {strides = array<i32>} : memref<30720xf32, #tpu.memory_space<vmem>>, vector<16xf32>,
      tpu.vector_store %arg8[%swap3A_143], %gather3A_138 {strides = array<i32>} : memref<30720xf32, #tpu.memory_space<vmem>>, vector<16xf32>,
      %add3A_145 = arith.constant 6144 : i32
      %add3A_146 = arith.addi %add3A_145, %mul3A_60 : i32
      %add3A_147 = arith.constant 1 : i32
      %add3A_148 = arith.addi %add3A_146, %add3A_147 : i32
      %add3A_149 = vector.broadcast %add3A_148 : i32 to vector<16xi32>
      %add3A_150 = arith.addi %mul3A_5, %add3A_149 : vector<16xi32>
      %gather3A_151 = tpu.vector_load_idx %arg6[%add3A_150] : memref<30720xf32, #tpu.memory_space<vmem>>[vector<16xi32>], vector<16xf32>,
      %mul3A_152 = arith.constant 16 : i32
      %mul3A_153 = arith.muli %scan3A_58, %mul3A_152 : i32
      %add3A_154 = arith.constant 8192 : i32
      %add3A_155 = arith.addi %add3A_154, %mul3A_153 : i32
      %swap3A_156 = arith.index_cast %add3A_155 : i32 to index
      %swap3A_157 = tpu.vector_load %arg8[%swap3A_156] {strides = array<i32>} : memref<30720xf32, #tpu.memory_space<vmem>>, vector<16xf32>,
      tpu.vector_store %arg8[%swap3A_156], %gather3A_151 {strides = array<i32>} : memref<30720xf32, #tpu.memory_space<vmem>>, vector<16xf32>,
      %add3A_158 = arith.constant 6144 : i32
      %add3A_159 = arith.addi %add3A_158, %mul3A_60 : i32
      %add3A_160 = arith.constant 2 : i32
      %add3A_161 = arith.addi %add3A_159, %add3A_160 : i32
      %add3A_162 = vector.broadcast %add3A_161 : i32 to vector<16xi32>
      %add3A_163 = arith.addi %mul3A_5, %add3A_162 : vector<16xi32>
      %gather3A_164 = tpu.vector_load_idx %arg6[%add3A_163] : memref<30720xf32, #tpu.memory_space<vmem>>[vector<16xi32>], vector<16xf32>,
      %mul3A_165 = arith.constant 16 : i32
      %mul3A_166 = arith.muli %scan3A_58, %mul3A_165 : i32
      %add3A_167 = arith.constant 10240 : i32
      %add3A_168 = arith.addi %add3A_167, %mul3A_166 : i32
      %swap3A_169 = arith.index_cast %add3A_168 : i32 to index
      %swap3A_170 = tpu.vector_load %arg8[%swap3A_169] {strides = array<i32>} : memref<30720xf32, #tpu.memory_space<vmem>>, vector<16xf32>,
      tpu.vector_store %arg8[%swap3A_169], %gather3A_164 {strides = array<i32>} : memref<30720xf32, #tpu.memory_space<vmem>>, vector<16xf32>,
      %add3A_171 = arith.constant 12288 : i32
      %add3A_172 = arith.addi %add3A_171, %mul3A_60 : i32
      %add3A_173 = arith.constant 0 : i32
      %add3A_174 = arith.addi %add3A_172, %add3A_173 : i32
      %add3A_175 = vector.broadcast %add3A_174 : i32 to vector<16xi32>
      %add3A_176 = arith.addi %mul3A_5, %add3A_175 : vector<16xi32>
      %gather3A_177 = tpu.vector_load_idx %arg6[%add3A_176] : memref<30720xf32, #tpu.memory_space<vmem>>[vector<16xi32>], vector<16xf32>,
      %mul3A_178 = arith.constant 16 : i32
      %mul3A_179 = arith.muli %scan3A_58, %mul3A_178 : i32
      %add3A_180 = arith.constant 12288 : i32
      %add3A_181 = arith.addi %add3A_180, %mul3A_179 : i32
      %swap3A_182 = arith.index_cast %add3A_181 : i32 to index
      %swap3A_183 = tpu.vector_load %arg8[%swap3A_182] {strides = array<i32>} : memref<30720xf32, #tpu.memory_space<vmem>>, vector<16xf32>,
      tpu.vector_store %arg8[%swap3A_182], %gather3A_177 {strides = array<i32>} : memref<30720xf32, #tpu.memory_space<vmem>>, vector<16xf32>,
      %add3A_184 = arith.constant 12288 : i32
      %add3A_185 = arith.addi %add3A_184, %mul3A_60 : i32
      %add3A_186 = arith.constant 1 : i32
      %add3A_187 = arith.addi %add3A_185, %add3A_186 : i32
      %add3A_188 = vector.broadcast %add3A_187 : i32 to vector<16xi32>
      %add3A_189 = arith.addi %mul3A_5, %add3A_188 : vector<16xi32>
      %gather3A_190 = tpu.vector_load_idx %arg6[%add3A_189] : memref<30720xf32, #tpu.memory_space<vmem>>[vector<16xi32>], vector<16xf32>,
      %mul3A_191 = arith.constant 16 : i32
      %mul3A_192 = arith.muli %scan3A_58, %mul3A_191 : i32
      %add3A_193 = arith.constant 14336 : i32
      %add3A_194 = arith.addi %add3A_193, %mul3A_192 : i32
      %swap3A_195 = arith.index_cast %add3A_194 : i32 to index
      %swap3A_196 = tpu.vector_load %arg8[%swap3A_195] {strides = array<i32>} : memref<30720xf32, #tpu.memory_space<vmem>>, vector<16xf32>,
      tpu.vector_store %arg8[%swap3A_195], %gather3A_190 {strides = array<i32>} : memref<30720xf32, #tpu.memory_space<vmem>>, vector<16xf32>,
      %add3A_197 = arith.constant 12288 : i32
      %add3A_198 = arith.addi %add3A_197, %mul3A_60 : i32
      %add3A_199 = arith.constant 2 : i32
      %add3A_200 = arith.addi %add3A_198, %add3A_199 : i32
      %add3A_201 = vector.broadcast %add3A_200 : i32 to vector<16xi32>
      %add3A_202 = arith.addi %mul3A_5, %add3A_201 : vector<16xi32>
      %gather3A_203 = tpu.vector_load_idx %arg6[%add3A_202] : memref<30720xf32, #tpu.memory_space<vmem>>[vector<16xi32>], vector<16xf32>,
      %mul3A_204 = arith.constant 16 : i32
      %mul3A_205 = arith.muli %scan3A_58, %mul3A_204 : i32
      %add3A_206 = arith.constant 16384 : i32
      %add3A_207 = arith.addi %add3A_206, %mul3A_205 : i32
      %swap3A_208 = arith.index_cast %add3A_207 : i32 to index
      %swap3A_209 = tpu.vector_load %arg8[%swap3A_208] {strides = array<i32>} : memref<30720xf32, #tpu.memory_space<vmem>>, vector<16xf32>,
      tpu.vector_store %arg8[%swap3A_208], %gather3A_203 {strides = array<i32>} : memref<30720xf32, #tpu.memory_space<vmem>>, vector<16xf32>,
      %add3A_210 = arith.constant 18432 : i32
      %add3A_211 = arith.addi %add3A_210, %mul3A_60 : i32
      %add3A_212 = arith.constant 0 : i32
      %add3A_213 = arith.addi %add3A_211, %add3A_212 : i32
      %add3A_214 = vector.broadcast %add3A_213 : i32 to vector<16xi32>
      %add3A_215 = arith.addi %mul3A_5, %add3A_214 : vector<16xi32>
      %gather3A_216 = tpu.vector_load_idx %arg6[%add3A_215] : memref<30720xf32, #tpu.memory_space<vmem>>[vector<16xi32>], vector<16xf32>,
      %mul3A_217 = arith.constant 16 : i32
      %mul3A_218 = arith.muli %scan3A_58, %mul3A_217 : i32
      %add3A_219 = arith.constant 18432 : i32
      %add3A_220 = arith.addi %add3A_219, %mul3A_218 : i32
      %swap3A_221 = arith.index_cast %add3A_220 : i32 to index
      %swap3A_222 = tpu.vector_load %arg8[%swap3A_221] {strides = array<i32>} : memref<30720xf32, #tpu.memory_space<vmem>>, vector<16xf32>,
      tpu.vector_store %arg8[%swap3A_221], %gather3A_216 {strides = array<i32>} : memref<30720xf32, #tpu.memory_space<vmem>>, vector<16xf32>,
      %add3A_223 = arith.constant 18432 : i32
      %add3A_224 = arith.addi %add3A_223, %mul3A_60 : i32
      %add3A_225 = arith.constant 1 : i32
      %add3A_226 = arith.addi %add3A_224, %add3A_225 : i32
      %add3A_227 = vector.broadcast %add3A_226 : i32 to vector<16xi32>
      %add3A_228 = arith.addi %mul3A_5, %add3A_227 : vector<16xi32>
      %gather3A_229 = tpu.vector_load_idx %arg6[%add3A_228] : memref<30720xf32, #tpu.memory_space<vmem>>[vector<16xi32>], vector<16xf32>,
      %mul3A_230 = arith.constant 16 : i32
      %mul3A_231 = arith.muli %scan3A_58, %mul3A_230 : i32
      %add3A_232 = arith.constant 20480 : i32
      %add3A_233 = arith.addi %add3A_232, %mul3A_231 : i32
      %swap3A_234 = arith.index_cast %add3A_233 : i32 to index
      %swap3A_235 = tpu.vector_load %arg8[%swap3A_234] {strides = array<i32>} : memref<30720xf32, #tpu.memory_space<vmem>>, vector<16xf32>,
      tpu.vector_store %arg8[%swap3A_234], %gather3A_229 {strides = array<i32>} : memref<30720xf32, #tpu.memory_space<vmem>>, vector<16xf32>,
      %add3A_236 = arith.constant 18432 : i32
      %add3A_237 = arith.addi %add3A_236, %mul3A_60 : i32
      %add3A_238 = arith.constant 2 : i32
      %add3A_239 = arith.addi %add3A_237, %add3A_238 : i32
      %add3A_240 = vector.broadcast %add3A_239 : i32 to vector<16xi32>
      %add3A_241 = arith.addi %mul3A_5, %add3A_240 : vector<16xi32>
      %gather3A_242 = tpu.vector_load_idx %arg6[%add3A_241] : memref<30720xf32, #tpu.memory_space<vmem>>[vector<16xi32>], vector<16xf32>,
      %mul3A_243 = arith.constant 16 : i32
      %mul3A_244 = arith.muli %scan3A_58, %mul3A_243 : i32
      %add3A_245 = arith.constant 22528 : i32
      %add3A_246 = arith.addi %add3A_245, %mul3A_244 : i32
      %swap3A_247 = arith.index_cast %add3A_246 : i32 to index
      %swap3A_248 = tpu.vector_load %arg8[%swap3A_247] {strides = array<i32>} : memref<30720xf32, #tpu.memory_space<vmem>>, vector<16xf32>,
      tpu.vector_store %arg8[%swap3A_247], %gather3A_242 {strides = array<i32>} : memref<30720xf32, #tpu.memory_space<vmem>>, vector<16xf32>,
      %add3A_249 = arith.constant 24576 : i32
      %add3A_250 = arith.addi %add3A_249, %mul3A_60 : i32
      %add3A_251 = arith.constant 0 : i32
      %add3A_252 = arith.addi %add3A_250, %add3A_251 : i32
      %add3A_253 = vector.broadcast %add3A_252 : i32 to vector<16xi32>
      %add3A_254 = arith.addi %mul3A_5, %add3A_253 : vector<16xi32>
      %gather3A_255 = tpu.vector_load_idx %arg6[%add3A_254] : memref<30720xf32, #tpu.memory_space<vmem>>[vector<16xi32>], vector<16xf32>,
      %mul3A_256 = arith.constant 16 : i32
      %mul3A_257 = arith.muli %scan3A_58, %mul3A_256 : i32
      %add3A_258 = arith.constant 24576 : i32
      %add3A_259 = arith.addi %add3A_258, %mul3A_257 : i32
      %swap3A_260 = arith.index_cast %add3A_259 : i32 to index
      %swap3A_261 = tpu.vector_load %arg8[%swap3A_260] {strides = array<i32>} : memref<30720xf32, #tpu.memory_space<vmem>>, vector<16xf32>,
      tpu.vector_store %arg8[%swap3A_260], %gather3A_255 {strides = array<i32>} : memref<30720xf32, #tpu.memory_space<vmem>>, vector<16xf32>,
      %add3A_262 = arith.constant 24576 : i32
      %add3A_263 = arith.addi %add3A_262, %mul3A_60 : i32
      %add3A_264 = arith.constant 1 : i32
      %add3A_265 = arith.addi %add3A_263, %add3A_264 : i32
      %add3A_266 = vector.broadcast %add3A_265 : i32 to vector<16xi32>
      %add3A_267 = arith.addi %mul3A_5, %add3A_266 : vector<16xi32>
      %gather3A_268 = tpu.vector_load_idx %arg6[%add3A_267] : memref<30720xf32, #tpu.memory_space<vmem>>[vector<16xi32>], vector<16xf32>,
      %mul3A_269 = arith.constant 16 : i32
      %mul3A_270 = arith.muli %scan3A_58, %mul3A_269 : i32
      %add3A_271 = arith.constant 26624 : i32
      %add3A_272 = arith.addi %add3A_271, %mul3A_270 : i32
      %swap3A_273 = arith.index_cast %add3A_272 : i32 to index
      %swap3A_274 = tpu.vector_load %arg8[%swap3A_273] {strides = array<i32>} : memref<30720xf32, #tpu.memory_space<vmem>>, vector<16xf32>,
      tpu.vector_store %arg8[%swap3A_273], %gather3A_268 {strides = array<i32>} : memref<30720xf32, #tpu.memory_space<vmem>>, vector<16xf32>,
      %add3A_275 = arith.constant 24576 : i32
      %add3A_276 = arith.addi %add3A_275, %mul3A_60 : i32
      %add3A_277 = arith.constant 2 : i32
      %add3A_278 = arith.addi %add3A_276, %add3A_277 : i32
      %add3A_279 = vector.broadcast %add3A_278 : i32 to vector<16xi32>
      %add3A_280 = arith.addi %mul3A_5, %add3A_279 : vector<16xi32>
      %gather3A_281 = tpu.vector_load_idx %arg6[%add3A_280] : memref<30720xf32, #tpu.memory_space<vmem>>[vector<16xi32>], vector<16xf32>,
      %mul3A_282 = arith.constant 16 : i32
      %mul3A_283 = arith.muli %scan3A_58, %mul3A_282 : i32
      %add3A_284 = arith.constant 28672 : i32
      %add3A_285 = arith.addi %add3A_284, %mul3A_283 : i32
      %swap3A_286 = arith.index_cast %add3A_285 : i32 to index
      %swap3A_287 = tpu.vector_load %arg8[%swap3A_286] {strides = array<i32>} : memref<30720xf32, #tpu.memory_space<vmem>>, vector<16xf32>,
      tpu.vector_store %arg8[%swap3A_286], %gather3A_281 {strides = array<i32>} : memref<30720xf32, #tpu.memory_space<vmem>>, vector<16xf32>,
    }
    %scan3A_10 = arith.constant 128 : i32
    %broadcast_in_dim3A = arith.constant 0 : i32
    %broadcast_in_dim3A_11 = vector.broadcast %broadcast_in_dim3A : i32 to vector<16xi32>
    %scan3A_12 = arith.constant 0 : i32
    %scan3A_13 = arith.constant 8 : i32
    %scan3A_14 = arith.addi %scan3A_12, %scan3A_13 : i32
    %scan3A_15 = arith.constant 1 : i32
    %scan3A_16:6 = scf.for %scan3A_58 = %scan3A_12 to %scan3A_14 step %scan3A_15 iter_args(%scan3A_59 = %broadcast_in_dim3A_11, %scan3A_60 = %broadcast_in_dim3A_11, %scan3A_61 = %broadcast_in_dim3A_11, %scan3A_62 = %broadcast_in_dim3A_11, %scan3A_63 = %broadcast_in_dim3A_11, %scan3A_64 = %broadcast_in_dim3A_11) -> (vector<16xi32>, vector<16xi32>, vector<16xi32>, vector<16xi32>, vector<16xi32>, vector<16xi32>)  : i32 {
      %add3A_65 = arith.addi %mul3A_2, %scan3A_58 : i32
      %mul3A_66 = arith.constant 3 : i32
      %mul3A_67 = arith.muli %add3A_65, %mul3A_66 : i32
      %broadcast_in_dim3A_68 = vector.broadcast %mul3A_67 : i32 to vector<16xi32>
      %gather3A = tpu.vector_load_idx %arg7[%broadcast_in_dim3A_68] : memref<6144xf32, #tpu.memory_space<vmem>>[vector<16xi32>], vector<16xf32>,
      %add3A_69 = arith.constant 1 : i32
      %add3A_70 = vector.broadcast %add3A_69 : i32 to vector<16xi32>
      %add3A_71 = arith.addi %broadcast_in_dim3A_68, %add3A_70 : vector<16xi32>
      %gather3A_72 = tpu.vector_load_idx %arg7[%add3A_71] : memref<6144xf32, #tpu.memory_space<vmem>>[vector<16xi32>], vector<16xf32>,
      %add3A_73 = arith.constant 2 : i32
      %add3A_74 = vector.broadcast %add3A_73 : i32 to vector<16xi32>
      %add3A_75 = arith.addi %broadcast_in_dim3A_68, %add3A_74 : vector<16xi32>
      %gather3A_76 = tpu.vector_load_idx %arg7[%add3A_75] : memref<6144xf32, #tpu.memory_space<vmem>>[vector<16xi32>], vector<16xf32>,
      %add3A_77 = arith.constant 0 : i32
      %add3A_78 = vector.broadcast %add3A_77 : i32 to vector<16xi32>
      %add3A_79 = arith.addi %broadcast_in_dim3A_68, %add3A_78 : vector<16xi32>
      %gather3A_80 = tpu.vector_load_idx %arg6[%add3A_79] : memref<30720xf32, #tpu.memory_space<vmem>>[vector<16xi32>], vector<16xf32>,
      %add3A_81 = arith.constant 1 : i32
      %add3A_82 = vector.broadcast %add3A_81 : i32 to vector<16xi32>
      %add3A_83 = arith.addi %broadcast_in_dim3A_68, %add3A_82 : vector<16xi32>
      %gather3A_84 = tpu.vector_load_idx %arg6[%add3A_83] : memref<30720xf32, #tpu.memory_space<vmem>>[vector<16xi32>], vector<16xf32>,
      %add3A_85 = arith.constant 2 : i32
      %add3A_86 = vector.broadcast %add3A_85 : i32 to vector<16xi32>
      %add3A_87 = arith.addi %broadcast_in_dim3A_68, %add3A_86 : vector<16xi32>
      %gather3A_88 = tpu.vector_load_idx %arg6[%add3A_87] : memref<30720xf32, #tpu.memory_space<vmem>>[vector<16xi32>], vector<16xf32>,
      %add3A_89 = arith.constant 6144 : i32
      %add3A_90 = vector.broadcast %add3A_89 : i32 to vector<16xi32>
      %add3A_91 = arith.addi %broadcast_in_dim3A_68, %add3A_90 : vector<16xi32>
      %gather3A_92 = tpu.vector_load_idx %arg6[%add3A_91] : memref<30720xf32, #tpu.memory_space<vmem>>[vector<16xi32>], vector<16xf32>,
      %add3A_93 = arith.constant 6145 : i32
      %add3A_94 = vector.broadcast %add3A_93 : i32 to vector<16xi32>
      %add3A_95 = arith.addi %broadcast_in_dim3A_68, %add3A_94 : vector<16xi32>
      %gather3A_96 = tpu.vector_load_idx %arg6[%add3A_95] : memref<30720xf32, #tpu.memory_space<vmem>>[vector<16xi32>], vector<16xf32>,
      %add3A_97 = arith.constant 6146 : i32
      %add3A_98 = vector.broadcast %add3A_97 : i32 to vector<16xi32>
      %add3A_99 = arith.addi %broadcast_in_dim3A_68, %add3A_98 : vector<16xi32>
      %gather3A_100 = tpu.vector_load_idx %arg6[%add3A_99] : memref<30720xf32, #tpu.memory_space<vmem>>[vector<16xi32>], vector<16xf32>,
      %add3A_101 = arith.constant 12288 : i32
      %add3A_102 = vector.broadcast %add3A_101 : i32 to vector<16xi32>
      %add3A_103 = arith.addi %broadcast_in_dim3A_68, %add3A_102 : vector<16xi32>
      %gather3A_104 = tpu.vector_load_idx %arg6[%add3A_103] : memref<30720xf32, #tpu.memory_space<vmem>>[vector<16xi32>], vector<16xf32>,
      %add3A_105 = arith.constant 12289 : i32
      %add3A_106 = vector.broadcast %add3A_105 : i32 to vector<16xi32>
      %add3A_107 = arith.addi %broadcast_in_dim3A_68, %add3A_106 : vector<16xi32>
      %gather3A_108 = tpu.vector_load_idx %arg6[%add3A_107] : memref<30720xf32, #tpu.memory_space<vmem>>[vector<16xi32>], vector<16xf32>,
      %add3A_109 = arith.constant 12290 : i32
      %add3A_110 = vector.broadcast %add3A_109 : i32 to vector<16xi32>
      %add3A_111 = arith.addi %broadcast_in_dim3A_68, %add3A_110 : vector<16xi32>
      %gather3A_112 = tpu.vector_load_idx %arg6[%add3A_111] : memref<30720xf32, #tpu.memory_space<vmem>>[vector<16xi32>], vector<16xf32>,
      %add3A_113 = arith.constant 18432 : i32
      %add3A_114 = vector.broadcast %add3A_113 : i32 to vector<16xi32>
      %add3A_115 = arith.addi %broadcast_in_dim3A_68, %add3A_114 : vector<16xi32>
      %gather3A_116 = tpu.vector_load_idx %arg6[%add3A_115] : memref<30720xf32, #tpu.memory_space<vmem>>[vector<16xi32>], vector<16xf32>,
      %add3A_117 = arith.constant 18433 : i32
      %add3A_118 = vector.broadcast %add3A_117 : i32 to vector<16xi32>
      %add3A_119 = arith.addi %broadcast_in_dim3A_68, %add3A_118 : vector<16xi32>
      %gather3A_120 = tpu.vector_load_idx %arg6[%add3A_119] : memref<30720xf32, #tpu.memory_space<vmem>>[vector<16xi32>], vector<16xf32>,
      %add3A_121 = arith.constant 18434 : i32
      %add3A_122 = vector.broadcast %add3A_121 : i32 to vector<16xi32>
      %add3A_123 = arith.addi %broadcast_in_dim3A_68, %add3A_122 : vector<16xi32>
      %gather3A_124 = tpu.vector_load_idx %arg6[%add3A_123] : memref<30720xf32, #tpu.memory_space<vmem>>[vector<16xi32>], vector<16xf32>,
      %add3A_125 = arith.constant 24576 : i32
      %add3A_126 = vector.broadcast %add3A_125 : i32 to vector<16xi32>
      %add3A_127 = arith.addi %broadcast_in_dim3A_68, %add3A_126 : vector<16xi32>
      %gather3A_128 = tpu.vector_load_idx %arg6[%add3A_127] : memref<30720xf32, #tpu.memory_space<vmem>>[vector<16xi32>], vector<16xf32>,
      %add3A_129 = arith.constant 24577 : i32
      %add3A_130 = vector.broadcast %add3A_129 : i32 to vector<16xi32>
      %add3A_131 = arith.addi %broadcast_in_dim3A_68, %add3A_130 : vector<16xi32>
      %gather3A_132 = tpu.vector_load_idx %arg6[%add3A_131] : memref<30720xf32, #tpu.memory_space<vmem>>[vector<16xi32>], vector<16xf32>,
      %add3A_133 = arith.constant 24578 : i32
      %add3A_134 = vector.broadcast %add3A_133 : i32 to vector<16xi32>
      %add3A_135 = arith.addi %broadcast_in_dim3A_68, %add3A_134 : vector<16xi32>
      %gather3A_136 = tpu.vector_load_idx %arg6[%add3A_135] : memref<30720xf32, #tpu.memory_space<vmem>>[vector<16xi32>], vector<16xf32>,
      %scan3A_137 = arith.constant 0 : i32
      %scan3A_138 = arith.constant 128 : i32
      %scan3A_139 = arith.addi %scan3A_137, %scan3A_138 : i32
      %scan3A_140 = arith.constant 1 : i32
      %scan3A_141:6 = scf.for %scan3A_143 = %scan3A_137 to %scan3A_139 step %scan3A_140 iter_args(%scan3A_144 = %scan3A_59, %scan3A_145 = %scan3A_60, %scan3A_146 = %scan3A_61, %scan3A_147 = %scan3A_62, %scan3A_148 = %scan3A_63, %scan3A_149 = %scan3A_64) -> (vector<16xi32>, vector<16xi32>, vector<16xi32>, vector<16xi32>, vector<16xi32>, vector<16xi32>)  : i32 {
        %mul3A_150 = arith.constant 16 : i32
        %mul3A_151 = arith.muli %scan3A_143, %mul3A_150 : i32
        %get3A = arith.index_cast %scan3A_58 : i32 to index
        %get3A_152 = arith.index_cast %mul3A_151 : i32 to index
        %get3A_153 = tpu.vector_load %arg10[%get3A, %get3A_152] {strides = array<i32>} : memref<8x2048xi32, #tpu.memory_space<vmem>>, vector<16xi32>,
        %get3A_154 = arith.index_cast %mul3A_151 : i32 to index
        %get3A_155 = tpu.vector_load %arg9[%get3A_154] {strides = array<i32>} : memref<6144xf32, #tpu.memory_space<vmem>>, vector<16xf32>,
        %add3A_156 = arith.constant 2048 : i32
        %add3A_157 = arith.addi %add3A_156, %mul3A_151 : i32
        %get3A_158 = arith.index_cast %add3A_157 : i32 to index
        %get3A_159 = tpu.vector_load %arg9[%get3A_158] {strides = array<i32>} : memref<6144xf32, #tpu.memory_space<vmem>>, vector<16xf32>,
        %add3A_160 = arith.constant 4096 : i32
        %add3A_161 = arith.addi %add3A_160, %mul3A_151 : i32
        %get3A_162 = arith.index_cast %add3A_161 : i32 to index
        %get3A_163 = tpu.vector_load %arg9[%get3A_162] {strides = array<i32>} : memref<6144xf32, #tpu.memory_space<vmem>>, vector<16xf32>,
        %sub3A = arith.subf %get3A_155, %gather3A : vector<16xf32>
        %sub3A_164 = arith.subf %get3A_159, %gather3A_72 : vector<16xf32>
        %sub3A_165 = arith.subf %get3A_163, %gather3A_76 : vector<16xf32>
        %mul3A_166 = arith.mulf %sub3A, %sub3A : vector<16xf32>
        %mul3A_167 = arith.mulf %sub3A_164, %sub3A_164 : vector<16xf32>
        %add3A_168 = arith.addf %mul3A_166, %mul3A_167 : vector<16xf32>
        %mul3A_169 = arith.mulf %sub3A_165, %sub3A_165 : vector<16xf32>
        %add3A_170 = arith.addf %add3A_168, %mul3A_169 : vector<16xf32>
        %add3A_171 = arith.constant 0 : i32
        %add3A_172 = arith.addi %add3A_171, %mul3A_151 : i32
        %get3A_173 = arith.index_cast %add3A_172 : i32 to index
        %get3A_174 = tpu.vector_load %arg8[%get3A_173] {strides = array<i32>} : memref<30720xf32, #tpu.memory_space<vmem>>, vector<16xf32>,
        %add3A_175 = arith.constant 2048 : i32
        %add3A_176 = arith.addi %add3A_175, %mul3A_151 : i32
        %get3A_177 = arith.index_cast %add3A_176 : i32 to index
        %get3A_178 = tpu.vector_load %arg8[%get3A_177] {strides = array<i32>} : memref<30720xf32, #tpu.memory_space<vmem>>, vector<16xf32>,
        %add3A_179 = arith.constant 4096 : i32
        %add3A_180 = arith.addi %add3A_179, %mul3A_151 : i32
        %get3A_181 = arith.index_cast %add3A_180 : i32 to index
        %get3A_182 = tpu.vector_load %arg8[%get3A_181] {strides = array<i32>} : memref<30720xf32, #tpu.memory_space<vmem>>, vector<16xf32>,
        %sub3A_183 = arith.subf %get3A_174, %gather3A_80 : vector<16xf32>
        %sub3A_184 = arith.subf %get3A_178, %gather3A_84 : vector<16xf32>
        %sub3A_185 = arith.subf %get3A_182, %gather3A_88 : vector<16xf32>
        %mul3A_186 = arith.mulf %sub3A_183, %sub3A_183 : vector<16xf32>
        %mul3A_187 = arith.mulf %sub3A_184, %sub3A_184 : vector<16xf32>
        %add3A_188 = arith.addf %mul3A_186, %mul3A_187 : vector<16xf32>
        %mul3A_189 = arith.mulf %sub3A_185, %sub3A_185 : vector<16xf32>
        %add3A_190 = arith.addf %add3A_188, %mul3A_189 : vector<16xf32>
        %add3A_191 = arith.addf %add3A_190, %add3A_170 : vector<16xf32>
        %mul3A_192 = arith.constant 5.000000e-01 : f32
        %mul3A_193 = vector.broadcast %mul3A_192 : f32 to vector<16xf32>
        %mul3A_194 = arith.mulf %mul3A_193, %add3A_191 : vector<16xf32>
        %mul3A_195 = arith.mulf %add3A_190, %add3A_170 : vector<16xf32>
        %sub3A_196 = arith.constant 1.250000e-01 : f32
        %sub3A_197 = vector.broadcast %sub3A_196 : f32 to vector<16xf32>
        %sub3A_198 = arith.subf %mul3A_194, %sub3A_197 : vector<16xf32>
        %abs3A = math.absf %sub3A_198 : vector<16xf32>
        %mul3A_199 = arith.mulf %sub3A_198, %abs3A : vector<16xf32>
        %lt3A = arith.cmpf olt, %mul3A_199, %mul3A_195 : vector<16xf32>
        %jit3A = arith.constant 0 : i32
        %broadcast_in_dim3A_200 = vector.broadcast %jit3A : i32 to vector<16xi32>
        %select_n3A = arith.select %lt3A, %get3A_153, %broadcast_in_dim3A_200 : vector<16xi1>, vector<16xi32>
        %add3A_201 = arith.addi %scan3A_144, %select_n3A : vector<16xi32>
        %sub3A_202 = arith.constant 5.000000e-01 : f32
        %sub3A_203 = vector.broadcast %sub3A_202 : f32 to vector<16xf32>
        %sub3A_204 = arith.subf %mul3A_194, %sub3A_203 : vector<16xf32>
        %abs3A_205 = math.absf %sub3A_204 : vector<16xf32>
        %mul3A_206 = arith.mulf %sub3A_204, %abs3A_205 : vector<16xf32>
        %lt3A_207 = arith.cmpf olt, %mul3A_206, %mul3A_195 : vector<16xf32>
        %jit3A_208 = arith.constant 0 : i32
        %broadcast_in_dim3A_209 = vector.broadcast %jit3A_208 : i32 to vector<16xi32>
        %select_n3A_210 = arith.select %lt3A_207, %get3A_153, %broadcast_in_dim3A_209 : vector<16xi1>, vector<16xi32>
        %add3A_211 = arith.addi %add3A_201, %select_n3A_210 : vector<16xi32>
        %sub3A_212 = arith.constant 2.000000e+00 : f32
        %sub3A_213 = vector.broadcast %sub3A_212 : f32 to vector<16xf32>
        %sub3A_214 = arith.subf %mul3A_194, %sub3A_213 : vector<16xf32>
        %abs3A_215 = math.absf %sub3A_214 : vector<16xf32>
        %mul3A_216 = arith.mulf %sub3A_214, %abs3A_215 : vector<16xf32>
        %lt3A_217 = arith.cmpf olt, %mul3A_216, %mul3A_195 : vector<16xf32>
        %jit3A_218 = arith.constant 0 : i32
        %broadcast_in_dim3A_219 = vector.broadcast %jit3A_218 : i32 to vector<16xi32>
        %select_n3A_220 = arith.select %lt3A_217, %get3A_153, %broadcast_in_dim3A_219 : vector<16xi1>, vector<16xi32>
        %add3A_221 = arith.addi %add3A_211, %select_n3A_220 : vector<16xi32>
        %sub3A_222 = arith.constant 8.000000e+00 : f32
        %sub3A_223 = vector.broadcast %sub3A_222 : f32 to vector<16xf32>
        %sub3A_224 = arith.subf %mul3A_194, %sub3A_223 : vector<16xf32>
        %abs3A_225 = math.absf %sub3A_224 : vector<16xf32>
        %mul3A_226 = arith.mulf %sub3A_224, %abs3A_225 : vector<16xf32>
        %lt3A_227 = arith.cmpf olt, %mul3A_226, %mul3A_195 : vector<16xf32>
        %jit3A_228 = arith.constant 0 : i32
        %broadcast_in_dim3A_229 = vector.broadcast %jit3A_228 : i32 to vector<16xi32>
        %select_n3A_230 = arith.select %lt3A_227, %get3A_153, %broadcast_in_dim3A_229 : vector<16xi1>, vector<16xi32>
        %add3A_231 = arith.addi %add3A_221, %select_n3A_230 : vector<16xi32>
        %add3A_232 = arith.constant 6144 : i32
        %add3A_233 = arith.addi %add3A_232, %mul3A_151 : i32
        %get3A_234 = arith.index_cast %add3A_233 : i32 to index
        %get3A_235 = tpu.vector_load %arg8[%get3A_234] {strides = array<i32>} : memref<30720xf32, #tpu.memory_space<vmem>>, vector<16xf32>,
        %add3A_236 = arith.constant 8192 : i32
        %add3A_237 = arith.addi %add3A_236, %mul3A_151 : i32
        %get3A_238 = arith.index_cast %add3A_237 : i32 to index
        %get3A_239 = tpu.vector_load %arg8[%get3A_238] {strides = array<i32>} : memref<30720xf32, #tpu.memory_space<vmem>>, vector<16xf32>,
        %add3A_240 = arith.constant 10240 : i32
        %add3A_241 = arith.addi %add3A_240, %mul3A_151 : i32
        %get3A_242 = arith.index_cast %add3A_241 : i32 to index
        %get3A_243 = tpu.vector_load %arg8[%get3A_242] {strides = array<i32>} : memref<30720xf32, #tpu.memory_space<vmem>>, vector<16xf32>,
        %sub3A_244 = arith.subf %get3A_235, %gather3A_92 : vector<16xf32>
        %sub3A_245 = arith.subf %get3A_239, %gather3A_96 : vector<16xf32>
        %sub3A_246 = arith.subf %get3A_243, %gather3A_100 : vector<16xf32>
        %mul3A_247 = arith.mulf %sub3A_244, %sub3A_244 : vector<16xf32>
        %mul3A_248 = arith.mulf %sub3A_245, %sub3A_245 : vector<16xf32>
        %add3A_249 = arith.addf %mul3A_247, %mul3A_248 : vector<16xf32>
        %mul3A_250 = arith.mulf %sub3A_246, %sub3A_246 : vector<16xf32>
        %add3A_251 = arith.addf %add3A_249, %mul3A_250 : vector<16xf32>
        %add3A_252 = arith.addf %add3A_251, %add3A_170 : vector<16xf32>
        %mul3A_253 = arith.constant 5.000000e-01 : f32
        %mul3A_254 = vector.broadcast %mul3A_253 : f32 to vector<16xf32>
        %mul3A_255 = arith.mulf %mul3A_254, %add3A_252 : vector<16xf32>
        %mul3A_256 = arith.mulf %add3A_251, %add3A_170 : vector<16xf32>
        %sub3A_257 = arith.constant 1.250000e-01 : f32
        %sub3A_258 = vector.broadcast %sub3A_257 : f32 to vector<16xf32>
        %sub3A_259 = arith.subf %mul3A_255, %sub3A_258 : vector<16xf32>
        %abs3A_260 = math.absf %sub3A_259 : vector<16xf32>
        %mul3A_261 = arith.mulf %sub3A_259, %abs3A_260 : vector<16xf32>
        %lt3A_262 = arith.cmpf olt, %mul3A_261, %mul3A_256 : vector<16xf32>
        %jit3A_263 = arith.constant 0 : i32
        %broadcast_in_dim3A_264 = vector.broadcast %jit3A_263 : i32 to vector<16xi32>
        %select_n3A_265 = arith.select %lt3A_262, %get3A_153, %broadcast_in_dim3A_264 : vector<16xi1>, vector<16xi32>
        %add3A_266 = arith.addi %scan3A_145, %select_n3A_265 : vector<16xi32>
        %sub3A_267 = arith.constant 5.000000e-01 : f32
        %sub3A_268 = vector.broadcast %sub3A_267 : f32 to vector<16xf32>
        %sub3A_269 = arith.subf %mul3A_255, %sub3A_268 : vector<16xf32>
        %abs3A_270 = math.absf %sub3A_269 : vector<16xf32>
        %mul3A_271 = arith.mulf %sub3A_269, %abs3A_270 : vector<16xf32>
        %lt3A_272 = arith.cmpf olt, %mul3A_271, %mul3A_256 : vector<16xf32>
        %jit3A_273 = arith.constant 0 : i32
        %broadcast_in_dim3A_274 = vector.broadcast %jit3A_273 : i32 to vector<16xi32>
        %select_n3A_275 = arith.select %lt3A_272, %get3A_153, %broadcast_in_dim3A_274 : vector<16xi1>, vector<16xi32>
        %add3A_276 = arith.addi %add3A_266, %select_n3A_275 : vector<16xi32>
        %sub3A_277 = arith.constant 2.000000e+00 : f32
        %sub3A_278 = vector.broadcast %sub3A_277 : f32 to vector<16xf32>
        %sub3A_279 = arith.subf %mul3A_255, %sub3A_278 : vector<16xf32>
        %abs3A_280 = math.absf %sub3A_279 : vector<16xf32>
        %mul3A_281 = arith.mulf %sub3A_279, %abs3A_280 : vector<16xf32>
        %lt3A_282 = arith.cmpf olt, %mul3A_281, %mul3A_256 : vector<16xf32>
        %jit3A_283 = arith.constant 0 : i32
        %broadcast_in_dim3A_284 = vector.broadcast %jit3A_283 : i32 to vector<16xi32>
        %select_n3A_285 = arith.select %lt3A_282, %get3A_153, %broadcast_in_dim3A_284 : vector<16xi1>, vector<16xi32>
        %add3A_286 = arith.addi %add3A_276, %select_n3A_285 : vector<16xi32>
        %sub3A_287 = arith.constant 8.000000e+00 : f32
        %sub3A_288 = vector.broadcast %sub3A_287 : f32 to vector<16xf32>
        %sub3A_289 = arith.subf %mul3A_255, %sub3A_288 : vector<16xf32>
        %abs3A_290 = math.absf %sub3A_289 : vector<16xf32>
        %mul3A_291 = arith.mulf %sub3A_289, %abs3A_290 : vector<16xf32>
        %lt3A_292 = arith.cmpf olt, %mul3A_291, %mul3A_256 : vector<16xf32>
        %jit3A_293 = arith.constant 0 : i32
        %broadcast_in_dim3A_294 = vector.broadcast %jit3A_293 : i32 to vector<16xi32>
        %select_n3A_295 = arith.select %lt3A_292, %get3A_153, %broadcast_in_dim3A_294 : vector<16xi1>, vector<16xi32>
        %add3A_296 = arith.addi %add3A_286, %select_n3A_295 : vector<16xi32>
        %add3A_297 = arith.constant 12288 : i32
        %add3A_298 = arith.addi %add3A_297, %mul3A_151 : i32
        %get3A_299 = arith.index_cast %add3A_298 : i32 to index
        %get3A_300 = tpu.vector_load %arg8[%get3A_299] {strides = array<i32>} : memref<30720xf32, #tpu.memory_space<vmem>>, vector<16xf32>,
        %add3A_301 = arith.constant 14336 : i32
        %add3A_302 = arith.addi %add3A_301, %mul3A_151 : i32
        %get3A_303 = arith.index_cast %add3A_302 : i32 to index
        %get3A_304 = tpu.vector_load %arg8[%get3A_303] {strides = array<i32>} : memref<30720xf32, #tpu.memory_space<vmem>>, vector<16xf32>,
        %add3A_305 = arith.constant 16384 : i32
        %add3A_306 = arith.addi %add3A_305, %mul3A_151 : i32
        %get3A_307 = arith.index_cast %add3A_306 : i32 to index
        %get3A_308 = tpu.vector_load %arg8[%get3A_307] {strides = array<i32>} : memref<30720xf32, #tpu.memory_space<vmem>>, vector<16xf32>,
        %sub3A_309 = arith.subf %get3A_300, %gather3A_104 : vector<16xf32>
        %sub3A_310 = arith.subf %get3A_304, %gather3A_108 : vector<16xf32>
        %sub3A_311 = arith.subf %get3A_308, %gather3A_112 : vector<16xf32>
        %mul3A_312 = arith.mulf %sub3A_309, %sub3A_309 : vector<16xf32>
        %mul3A_313 = arith.mulf %sub3A_310, %sub3A_310 : vector<16xf32>
        %add3A_314 = arith.addf %mul3A_312, %mul3A_313 : vector<16xf32>
        %mul3A_315 = arith.mulf %sub3A_311, %sub3A_311 : vector<16xf32>
        %add3A_316 = arith.addf %add3A_314, %mul3A_315 : vector<16xf32>
        %add3A_317 = arith.addf %add3A_316, %add3A_170 : vector<16xf32>
        %mul3A_318 = arith.constant 5.000000e-01 : f32
        %mul3A_319 = vector.broadcast %mul3A_318 : f32 to vector<16xf32>
        %mul3A_320 = arith.mulf %mul3A_319, %add3A_317 : vector<16xf32>
        %mul3A_321 = arith.mulf %add3A_316, %add3A_170 : vector<16xf32>
        %sub3A_322 = arith.constant 1.250000e-01 : f32
        %sub3A_323 = vector.broadcast %sub3A_322 : f32 to vector<16xf32>
        %sub3A_324 = arith.subf %mul3A_320, %sub3A_323 : vector<16xf32>
        %abs3A_325 = math.absf %sub3A_324 : vector<16xf32>
        %mul3A_326 = arith.mulf %sub3A_324, %abs3A_325 : vector<16xf32>
        %lt3A_327 = arith.cmpf olt, %mul3A_326, %mul3A_321 : vector<16xf32>
        %jit3A_328 = arith.constant 0 : i32
        %broadcast_in_dim3A_329 = vector.broadcast %jit3A_328 : i32 to vector<16xi32>
        %select_n3A_330 = arith.select %lt3A_327, %get3A_153, %broadcast_in_dim3A_329 : vector<16xi1>, vector<16xi32>
        %add3A_331 = arith.addi %scan3A_146, %select_n3A_330 : vector<16xi32>
        %sub3A_332 = arith.constant 5.000000e-01 : f32
        %sub3A_333 = vector.broadcast %sub3A_332 : f32 to vector<16xf32>
        %sub3A_334 = arith.subf %mul3A_320, %sub3A_333 : vector<16xf32>
        %abs3A_335 = math.absf %sub3A_334 : vector<16xf32>
        %mul3A_336 = arith.mulf %sub3A_334, %abs3A_335 : vector<16xf32>
        %lt3A_337 = arith.cmpf olt, %mul3A_336, %mul3A_321 : vector<16xf32>
        %jit3A_338 = arith.constant 0 : i32
        %broadcast_in_dim3A_339 = vector.broadcast %jit3A_338 : i32 to vector<16xi32>
        %select_n3A_340 = arith.select %lt3A_337, %get3A_153, %broadcast_in_dim3A_339 : vector<16xi1>, vector<16xi32>
        %add3A_341 = arith.addi %add3A_331, %select_n3A_340 : vector<16xi32>
        %sub3A_342 = arith.constant 2.000000e+00 : f32
        %sub3A_343 = vector.broadcast %sub3A_342 : f32 to vector<16xf32>
        %sub3A_344 = arith.subf %mul3A_320, %sub3A_343 : vector<16xf32>
        %abs3A_345 = math.absf %sub3A_344 : vector<16xf32>
        %mul3A_346 = arith.mulf %sub3A_344, %abs3A_345 : vector<16xf32>
        %lt3A_347 = arith.cmpf olt, %mul3A_346, %mul3A_321 : vector<16xf32>
        %jit3A_348 = arith.constant 0 : i32
        %broadcast_in_dim3A_349 = vector.broadcast %jit3A_348 : i32 to vector<16xi32>
        %select_n3A_350 = arith.select %lt3A_347, %get3A_153, %broadcast_in_dim3A_349 : vector<16xi1>, vector<16xi32>
        %add3A_351 = arith.addi %add3A_341, %select_n3A_350 : vector<16xi32>
        %sub3A_352 = arith.constant 8.000000e+00 : f32
        %sub3A_353 = vector.broadcast %sub3A_352 : f32 to vector<16xf32>
        %sub3A_354 = arith.subf %mul3A_320, %sub3A_353 : vector<16xf32>
        %abs3A_355 = math.absf %sub3A_354 : vector<16xf32>
        %mul3A_356 = arith.mulf %sub3A_354, %abs3A_355 : vector<16xf32>
        %lt3A_357 = arith.cmpf olt, %mul3A_356, %mul3A_321 : vector<16xf32>
        %jit3A_358 = arith.constant 0 : i32
        %broadcast_in_dim3A_359 = vector.broadcast %jit3A_358 : i32 to vector<16xi32>
        %select_n3A_360 = arith.select %lt3A_357, %get3A_153, %broadcast_in_dim3A_359 : vector<16xi1>, vector<16xi32>
        %add3A_361 = arith.addi %add3A_351, %select_n3A_360 : vector<16xi32>
        %add3A_362 = arith.constant 18432 : i32
        %add3A_363 = arith.addi %add3A_362, %mul3A_151 : i32
        %get3A_364 = arith.index_cast %add3A_363 : i32 to index
        %get3A_365 = tpu.vector_load %arg8[%get3A_364] {strides = array<i32>} : memref<30720xf32, #tpu.memory_space<vmem>>, vector<16xf32>,
        %add3A_366 = arith.constant 20480 : i32
        %add3A_367 = arith.addi %add3A_366, %mul3A_151 : i32
        %get3A_368 = arith.index_cast %add3A_367 : i32 to index
        %get3A_369 = tpu.vector_load %arg8[%get3A_368] {strides = array<i32>} : memref<30720xf32, #tpu.memory_space<vmem>>, vector<16xf32>,
        %add3A_370 = arith.constant 22528 : i32
        %add3A_371 = arith.addi %add3A_370, %mul3A_151 : i32
        %get3A_372 = arith.index_cast %add3A_371 : i32 to index
        %get3A_373 = tpu.vector_load %arg8[%get3A_372] {strides = array<i32>} : memref<30720xf32, #tpu.memory_space<vmem>>, vector<16xf32>,
        %sub3A_374 = arith.subf %get3A_365, %gather3A_116 : vector<16xf32>
        %sub3A_375 = arith.subf %get3A_369, %gather3A_120 : vector<16xf32>
        %sub3A_376 = arith.subf %get3A_373, %gather3A_124 : vector<16xf32>
        %mul3A_377 = arith.mulf %sub3A_374, %sub3A_374 : vector<16xf32>
        %mul3A_378 = arith.mulf %sub3A_375, %sub3A_375 : vector<16xf32>
        %add3A_379 = arith.addf %mul3A_377, %mul3A_378 : vector<16xf32>
        %mul3A_380 = arith.mulf %sub3A_376, %sub3A_376 : vector<16xf32>
        %add3A_381 = arith.addf %add3A_379, %mul3A_380 : vector<16xf32>
        %add3A_382 = arith.addf %add3A_381, %add3A_170 : vector<16xf32>
        %mul3A_383 = arith.constant 5.000000e-01 : f32
        %mul3A_384 = vector.broadcast %mul3A_383 : f32 to vector<16xf32>
        %mul3A_385 = arith.mulf %mul3A_384, %add3A_382 : vector<16xf32>
        %mul3A_386 = arith.mulf %add3A_381, %add3A_170 : vector<16xf32>
        %sub3A_387 = arith.constant 1.250000e-01 : f32
        %sub3A_388 = vector.broadcast %sub3A_387 : f32 to vector<16xf32>
        %sub3A_389 = arith.subf %mul3A_385, %sub3A_388 : vector<16xf32>
        %abs3A_390 = math.absf %sub3A_389 : vector<16xf32>
        %mul3A_391 = arith.mulf %sub3A_389, %abs3A_390 : vector<16xf32>
        %lt3A_392 = arith.cmpf olt, %mul3A_391, %mul3A_386 : vector<16xf32>
        %jit3A_393 = arith.constant 0 : i32
        %broadcast_in_dim3A_394 = vector.broadcast %jit3A_393 : i32 to vector<16xi32>
        %select_n3A_395 = arith.select %lt3A_392, %get3A_153, %broadcast_in_dim3A_394 : vector<16xi1>, vector<16xi32>
        %add3A_396 = arith.addi %scan3A_147, %select_n3A_395 : vector<16xi32>
        %sub3A_397 = arith.constant 5.000000e-01 : f32
        %sub3A_398 = vector.broadcast %sub3A_397 : f32 to vector<16xf32>
        %sub3A_399 = arith.subf %mul3A_385, %sub3A_398 : vector<16xf32>
        %abs3A_400 = math.absf %sub3A_399 : vector<16xf32>
        %mul3A_401 = arith.mulf %sub3A_399, %abs3A_400 : vector<16xf32>
        %lt3A_402 = arith.cmpf olt, %mul3A_401, %mul3A_386 : vector<16xf32>
        %jit3A_403 = arith.constant 0 : i32
        %broadcast_in_dim3A_404 = vector.broadcast %jit3A_403 : i32 to vector<16xi32>
        %select_n3A_405 = arith.select %lt3A_402, %get3A_153, %broadcast_in_dim3A_404 : vector<16xi1>, vector<16xi32>
        %add3A_406 = arith.addi %add3A_396, %select_n3A_405 : vector<16xi32>
        %sub3A_407 = arith.constant 2.000000e+00 : f32
        %sub3A_408 = vector.broadcast %sub3A_407 : f32 to vector<16xf32>
        %sub3A_409 = arith.subf %mul3A_385, %sub3A_408 : vector<16xf32>
        %abs3A_410 = math.absf %sub3A_409 : vector<16xf32>
        %mul3A_411 = arith.mulf %sub3A_409, %abs3A_410 : vector<16xf32>
        %lt3A_412 = arith.cmpf olt, %mul3A_411, %mul3A_386 : vector<16xf32>
        %jit3A_413 = arith.constant 0 : i32
        %broadcast_in_dim3A_414 = vector.broadcast %jit3A_413 : i32 to vector<16xi32>
        %select_n3A_415 = arith.select %lt3A_412, %get3A_153, %broadcast_in_dim3A_414 : vector<16xi1>, vector<16xi32>
        %add3A_416 = arith.addi %add3A_406, %select_n3A_415 : vector<16xi32>
        %sub3A_417 = arith.constant 8.000000e+00 : f32
        %sub3A_418 = vector.broadcast %sub3A_417 : f32 to vector<16xf32>
        %sub3A_419 = arith.subf %mul3A_385, %sub3A_418 : vector<16xf32>
        %abs3A_420 = math.absf %sub3A_419 : vector<16xf32>
        %mul3A_421 = arith.mulf %sub3A_419, %abs3A_420 : vector<16xf32>
        %lt3A_422 = arith.cmpf olt, %mul3A_421, %mul3A_386 : vector<16xf32>
        %jit3A_423 = arith.constant 0 : i32
        %broadcast_in_dim3A_424 = vector.broadcast %jit3A_423 : i32 to vector<16xi32>
        %select_n3A_425 = arith.select %lt3A_422, %get3A_153, %broadcast_in_dim3A_424 : vector<16xi1>, vector<16xi32>
        %add3A_426 = arith.addi %add3A_416, %select_n3A_425 : vector<16xi32>
        %add3A_427 = arith.constant 24576 : i32
        %add3A_428 = arith.addi %add3A_427, %mul3A_151 : i32
        %get3A_429 = arith.index_cast %add3A_428 : i32 to index
        %get3A_430 = tpu.vector_load %arg8[%get3A_429] {strides = array<i32>} : memref<30720xf32, #tpu.memory_space<vmem>>, vector<16xf32>,
        %add3A_431 = arith.constant 26624 : i32
        %add3A_432 = arith.addi %add3A_431, %mul3A_151 : i32
        %get3A_433 = arith.index_cast %add3A_432 : i32 to index
        %get3A_434 = tpu.vector_load %arg8[%get3A_433] {strides = array<i32>} : memref<30720xf32, #tpu.memory_space<vmem>>, vector<16xf32>,
        %add3A_435 = arith.constant 28672 : i32
        %add3A_436 = arith.addi %add3A_435, %mul3A_151 : i32
        %get3A_437 = arith.index_cast %add3A_436 : i32 to index
        %get3A_438 = tpu.vector_load %arg8[%get3A_437] {strides = array<i32>} : memref<30720xf32, #tpu.memory_space<vmem>>, vector<16xf32>,
        %sub3A_439 = arith.subf %get3A_430, %gather3A_128 : vector<16xf32>
        %sub3A_440 = arith.subf %get3A_434, %gather3A_132 : vector<16xf32>
        %sub3A_441 = arith.subf %get3A_438, %gather3A_136 : vector<16xf32>
        %mul3A_442 = arith.mulf %sub3A_439, %sub3A_439 : vector<16xf32>
        %mul3A_443 = arith.mulf %sub3A_440, %sub3A_440 : vector<16xf32>
        %add3A_444 = arith.addf %mul3A_442, %mul3A_443 : vector<16xf32>
        %mul3A_445 = arith.mulf %sub3A_441, %sub3A_441 : vector<16xf32>
        %add3A_446 = arith.addf %add3A_444, %mul3A_445 : vector<16xf32>
        %add3A_447 = arith.addf %add3A_446, %add3A_170 : vector<16xf32>
        %mul3A_448 = arith.constant 5.000000e-01 : f32
        %mul3A_449 = vector.broadcast %mul3A_448 : f32 to vector<16xf32>
        %mul3A_450 = arith.mulf %mul3A_449, %add3A_447 : vector<16xf32>
        %mul3A_451 = arith.mulf %add3A_446, %add3A_170 : vector<16xf32>
        %sub3A_452 = arith.constant 1.250000e-01 : f32
        %sub3A_453 = vector.broadcast %sub3A_452 : f32 to vector<16xf32>
        %sub3A_454 = arith.subf %mul3A_450, %sub3A_453 : vector<16xf32>
        %abs3A_455 = math.absf %sub3A_454 : vector<16xf32>
        %mul3A_456 = arith.mulf %sub3A_454, %abs3A_455 : vector<16xf32>
        %lt3A_457 = arith.cmpf olt, %mul3A_456, %mul3A_451 : vector<16xf32>
        %jit3A_458 = arith.constant 0 : i32
        %broadcast_in_dim3A_459 = vector.broadcast %jit3A_458 : i32 to vector<16xi32>
        %select_n3A_460 = arith.select %lt3A_457, %get3A_153, %broadcast_in_dim3A_459 : vector<16xi1>, vector<16xi32>
        %add3A_461 = arith.addi %scan3A_148, %select_n3A_460 : vector<16xi32>
        %sub3A_462 = arith.constant 5.000000e-01 : f32
        %sub3A_463 = vector.broadcast %sub3A_462 : f32 to vector<16xf32>
        %sub3A_464 = arith.subf %mul3A_450, %sub3A_463 : vector<16xf32>
        %abs3A_465 = math.absf %sub3A_464 : vector<16xf32>
        %mul3A_466 = arith.mulf %sub3A_464, %abs3A_465 : vector<16xf32>
        %lt3A_467 = arith.cmpf olt, %mul3A_466, %mul3A_451 : vector<16xf32>
        %jit3A_468 = arith.constant 0 : i32
        %broadcast_in_dim3A_469 = vector.broadcast %jit3A_468 : i32 to vector<16xi32>
        %select_n3A_470 = arith.select %lt3A_467, %get3A_153, %broadcast_in_dim3A_469 : vector<16xi1>, vector<16xi32>
        %add3A_471 = arith.addi %add3A_461, %select_n3A_470 : vector<16xi32>
        %sub3A_472 = arith.constant 2.000000e+00 : f32
        %sub3A_473 = vector.broadcast %sub3A_472 : f32 to vector<16xf32>
        %sub3A_474 = arith.subf %mul3A_450, %sub3A_473 : vector<16xf32>
        %abs3A_475 = math.absf %sub3A_474 : vector<16xf32>
        %mul3A_476 = arith.mulf %sub3A_474, %abs3A_475 : vector<16xf32>
        %lt3A_477 = arith.cmpf olt, %mul3A_476, %mul3A_451 : vector<16xf32>
        %jit3A_478 = arith.constant 0 : i32
        %broadcast_in_dim3A_479 = vector.broadcast %jit3A_478 : i32 to vector<16xi32>
        %select_n3A_480 = arith.select %lt3A_477, %get3A_153, %broadcast_in_dim3A_479 : vector<16xi1>, vector<16xi32>
        %add3A_481 = arith.addi %add3A_471, %select_n3A_480 : vector<16xi32>
        %sub3A_482 = arith.constant 8.000000e+00 : f32
        %sub3A_483 = vector.broadcast %sub3A_482 : f32 to vector<16xf32>
        %sub3A_484 = arith.subf %mul3A_450, %sub3A_483 : vector<16xf32>
        %abs3A_485 = math.absf %sub3A_484 : vector<16xf32>
        %mul3A_486 = arith.mulf %sub3A_484, %abs3A_485 : vector<16xf32>
        %lt3A_487 = arith.cmpf olt, %mul3A_486, %mul3A_451 : vector<16xf32>
        %jit3A_488 = arith.constant 0 : i32
        %broadcast_in_dim3A_489 = vector.broadcast %jit3A_488 : i32 to vector<16xi32>
        %select_n3A_490 = arith.select %lt3A_487, %get3A_153, %broadcast_in_dim3A_489 : vector<16xi1>, vector<16xi32>
        %add3A_491 = arith.addi %add3A_481, %select_n3A_490 : vector<16xi32>
        %add3A_492 = arith.addi %scan3A_149, %get3A_153 : vector<16xi32>
        scf.yield %add3A_231, %add3A_296, %add3A_361, %add3A_426, %add3A_491, %add3A_492 : vector<16xi32>, vector<16xi32>, vector<16xi32>, vector<16xi32>, vector<16xi32>, vector<16xi32>
      }
      %scan3A_142 = arith.constant 128 : i32
      scf.yield %scan3A_141#0, %scan3A_141#1, %scan3A_141#2, %scan3A_141#3, %scan3A_141#4, %scan3A_141#5 : vector<16xi32>, vector<16xi32>, vector<16xi32>, vector<16xi32>, vector<16xi32>, vector<16xi32>
    }
    %scan3A_17 = arith.constant 8 : i32
    %convert_element_type3A = arith.sitofp %scan3A_16#0 : vector<16xi32> to vector<16xf32>
    %swap3A = arith.constant 0 : i32
    %swap3A_18 = arith.index_cast %swap3A : i32 to index
    %swap3A_19 = arith.constant 0 : index
    %swap3A_20 = tpu.vector_load %arg11[%swap3A_18, %swap3A_19] {strides = array<i32>} : memref<8x16xf32, #tpu.memory_space<vmem>>, vector<16xf32>,
    tpu.vector_store %arg11[%swap3A_18, %swap3A_19], %convert_element_type3A {strides = array<i32>} : memref<8x16xf32, #tpu.memory_space<vmem>>, vector<16xf32>,
    %convert_element_type3A_21 = arith.sitofp %scan3A_16#1 : vector<16xi32> to vector<16xf32>
    %swap3A_22 = arith.constant 1 : i32
    %swap3A_23 = arith.index_cast %swap3A_22 : i32 to index
    %swap3A_24 = arith.constant 0 : index
    %swap3A_25 = tpu.vector_load %arg11[%swap3A_23, %swap3A_24] {strides = array<i32>} : memref<8x16xf32, #tpu.memory_space<vmem>>, vector<16xf32>,
    tpu.vector_store %arg11[%swap3A_23, %swap3A_24], %convert_element_type3A_21 {strides = array<i32>} : memref<8x16xf32, #tpu.memory_space<vmem>>, vector<16xf32>,
    %convert_element_type3A_26 = arith.sitofp %scan3A_16#2 : vector<16xi32> to vector<16xf32>
    %swap3A_27 = arith.constant 2 : i32
    %swap3A_28 = arith.index_cast %swap3A_27 : i32 to index
    %swap3A_29 = arith.constant 0 : index
    %swap3A_30 = tpu.vector_load %arg11[%swap3A_28, %swap3A_29] {strides = array<i32>} : memref<8x16xf32, #tpu.memory_space<vmem>>, vector<16xf32>,
    tpu.vector_store %arg11[%swap3A_28, %swap3A_29], %convert_element_type3A_26 {strides = array<i32>} : memref<8x16xf32, #tpu.memory_space<vmem>>, vector<16xf32>,
    %convert_element_type3A_31 = arith.sitofp %scan3A_16#3 : vector<16xi32> to vector<16xf32>
    %swap3A_32 = arith.constant 3 : i32
    %swap3A_33 = arith.index_cast %swap3A_32 : i32 to index
    %swap3A_34 = arith.constant 0 : index
    %swap3A_35 = tpu.vector_load %arg11[%swap3A_33, %swap3A_34] {strides = array<i32>} : memref<8x16xf32, #tpu.memory_space<vmem>>, vector<16xf32>,
    tpu.vector_store %arg11[%swap3A_33, %swap3A_34], %convert_element_type3A_31 {strides = array<i32>} : memref<8x16xf32, #tpu.memory_space<vmem>>, vector<16xf32>,
    %convert_element_type3A_36 = arith.sitofp %scan3A_16#4 : vector<16xi32> to vector<16xf32>
    %swap3A_37 = arith.constant 4 : i32
    %swap3A_38 = arith.index_cast %swap3A_37 : i32 to index
    %swap3A_39 = arith.constant 0 : index
    %swap3A_40 = tpu.vector_load %arg11[%swap3A_38, %swap3A_39] {strides = array<i32>} : memref<8x16xf32, #tpu.memory_space<vmem>>, vector<16xf32>,
    tpu.vector_store %arg11[%swap3A_38, %swap3A_39], %convert_element_type3A_36 {strides = array<i32>} : memref<8x16xf32, #tpu.memory_space<vmem>>, vector<16xf32>,
    %convert_element_type3A_41 = arith.sitofp %scan3A_16#5 : vector<16xi32> to vector<16xf32>
    %swap3A_42 = arith.constant 5 : i32
    %swap3A_43 = arith.index_cast %swap3A_42 : i32 to index
    %swap3A_44 = arith.constant 0 : index
    %swap3A_45 = tpu.vector_load %arg11[%swap3A_43, %swap3A_44] {strides = array<i32>} : memref<8x16xf32, #tpu.memory_space<vmem>>, vector<16xf32>,
    tpu.vector_store %arg11[%swap3A_43, %swap3A_44], %convert_element_type3A_41 {strides = array<i32>} : memref<8x16xf32, #tpu.memory_space<vmem>>, vector<16xf32>,
    %broadcast_in_dim3A_46 = arith.constant 0.000000e+00 : f32
    %broadcast_in_dim3A_47 = vector.broadcast %broadcast_in_dim3A_46 : f32 to vector<16xf32>
    %swap3A_48 = arith.constant 6 : i32
    %swap3A_49 = arith.index_cast %swap3A_48 : i32 to index
    %swap3A_50 = arith.constant 0 : index
    %swap3A_51 = tpu.vector_load %arg11[%swap3A_49, %swap3A_50] {strides = array<i32>} : memref<8x16xf32, #tpu.memory_space<vmem>>, vector<16xf32>,
    tpu.vector_store %arg11[%swap3A_49, %swap3A_50], %broadcast_in_dim3A_47 {strides = array<i32>} : memref<8x16xf32, #tpu.memory_space<vmem>>, vector<16xf32>,
    %broadcast_in_dim3A_52 = arith.constant 0.000000e+00 : f32
    %broadcast_in_dim3A_53 = vector.broadcast %broadcast_in_dim3A_52 : f32 to vector<16xf32>
    %swap3A_54 = arith.constant 7 : i32
    %swap3A_55 = arith.index_cast %swap3A_54 : i32 to index
    %swap3A_56 = arith.constant 0 : index
    %swap3A_57 = tpu.vector_load %arg11[%swap3A_55, %swap3A_56] {strides = array<i32>} : memref<8x16xf32, #tpu.memory_space<vmem>>, vector<16xf32>,
    tpu.vector_store %arg11[%swap3A_55, %swap3A_56], %broadcast_in_dim3A_53 {strides = array<i32>} : memref<8x16xf32, #tpu.memory_space<vmem>>, vector<16xf32>,
    "tpu.region"() ({
      %run_scoped3A = tpu.sem_alloc : memref<!tpu.dma_semaphore, #tpu.memory_space<semaphore_mem>>
      %dma_start3A = arith.constant 0 : i32
      %dma_start3A_58 = arith.constant 0 : i32
      %dma_start3A_59 = tpu.memref_slice %arg5[%add3A, %dma_start3A, %dma_start3A_58] : memref<32x8x16xf32, #tpu.memory_space<hbm>> -> memref<1x8x16xf32, #tpu.memory_space<hbm>>
      %dma_start3A_60 = tpu.memref_squeeze %dma_start3A_59 : memref<1x8x16xf32, #tpu.memory_space<hbm>> -> memref<8x16xf32, #tpu.memory_space<hbm>>
      %dma_start3A_61 = arith.constant 0 : i32
      %dma_start3A_62 = arith.constant 0 : i32
      %dma_start3A_63 = tpu.memref_slice %arg5[%add3A, %dma_start3A_61, %dma_start3A_62] : memref<32x8x16xf32, #tpu.memory_space<hbm>> -> memref<1x8x16xf32, #tpu.memory_space<hbm>>
      %dma_start3A_64 = tpu.memref_squeeze %dma_start3A_63 : memref<1x8x16xf32, #tpu.memory_space<hbm>> -> memref<8x16xf32, #tpu.memory_space<hbm>>
      tpu.enqueue_dma source(%arg11 : memref<8x16xf32, #tpu.memory_space<vmem>>) target(%dma_start3A_64 : memref<8x16xf32, #tpu.memory_space<hbm>>) target_semaphore(%run_scoped3A : memref<!tpu.dma_semaphore, #tpu.memory_space<semaphore_mem>>)
      %dma_wait3A = arith.constant 0 : i32
      %dma_wait3A_65 = arith.constant 0 : i32
      %dma_wait3A_66 = tpu.memref_slice %arg5[%add3A, %dma_wait3A, %dma_wait3A_65] : memref<32x8x16xf32, #tpu.memory_space<hbm>> -> memref<1x8x16xf32, #tpu.memory_space<hbm>>
      %dma_wait3A_67 = tpu.memref_squeeze %dma_wait3A_66 : memref<1x8x16xf32, #tpu.memory_space<hbm>> -> memref<8x16xf32, #tpu.memory_space<hbm>>
      %dma_wait3A_68 = arith.constant 0 : i32
      %dma_wait3A_69 = arith.constant 0 : i32
      %dma_wait3A_70 = tpu.memref_slice %arg5[%add3A, %dma_wait3A_68, %dma_wait3A_69] : memref<32x8x16xf32, #tpu.memory_space<hbm>> -> memref<1x8x16xf32, #tpu.memory_space<hbm>>
      %dma_wait3A_71 = tpu.memref_squeeze %dma_wait3A_70 : memref<1x8x16xf32, #tpu.memory_space<hbm>> -> memref<8x16xf32, #tpu.memory_space<hbm>>
      tpu.wait_dma2 semaphore(%run_scoped3A : memref<!tpu.dma_semaphore, #tpu.memory_space<semaphore_mem>>) src(%arg11 : memref<8x16xf32, #tpu.memory_space<vmem>>) dst(%dma_wait3A_71 : memref<8x16xf32, #tpu.memory_space<hbm>>)
      tpu.yield
    }) : () -> ()
    return
  }
}

module attributes {stable_mosaic.version = 14 : i64} {
  func.func @_tc_body(%arg0: i32, %arg1: memref<5x256x3xf32, #tpu.memory_space<vmem>>, %arg2: memref<5x3x2048xf32, #tpu.memory_space<vmem>>, %arg3: memref<256x3xf32, #tpu.memory_space<vmem>>, %arg4: memref<3x2048xf32, #tpu.memory_space<vmem>>, %arg5: memref<256x2048xi32, #tpu.memory_space<vmem>>, %arg6: memref<8x128xf32, #tpu.memory_space<vmem>>) attributes {dimension_semantics = [#tpu.dimension_semantics<arbitrary>], iteration_bounds = array<i64: 7>, scalar_prefetch = 0 : i64, scratch_operands = 0 : i64, tpu.core_type = #tpu.core_type<tc>, window_params = [{transform_indices = @transform_0, window_bounds = array<i64: 5, 256, 3>}, {pipeline_mode = #tpu.pipeline_mode<synchronous>, transform_indices = @transform_1, window_bounds = array<i64: 5, 3, 2048>}, {transform_indices = @transform_2, window_bounds = array<i64: 256, 3>}, {pipeline_mode = #tpu.pipeline_mode<synchronous>, transform_indices = @transform_3, window_bounds = array<i64: 3, 2048>}, {transform_indices = @transform_4, window_bounds = array<i64: 256, 2048>}, {pipeline_mode = #tpu.pipeline_mode<synchronous>, transform_indices = @transform_5, window_bounds = array<i64: 8, 128>}]} {
    %eq3A = arith.constant 0 : i32
    %eq3A_0 = arith.cmpi eq, %arg0, %eq3A : i32
    %convert_element_type3A = arith.extui %eq3A_0 : i1 to i32
    %cond3A = arith.constant 0 : i32
    %cond3A_1 = arith.cmpi ne, %convert_element_type3A, %cond3A : i32
    scf.if %cond3A_1 {
      %broadcast_in_dim3A = arith.constant 0.000000e+00 : f32
      %broadcast_in_dim3A_415 = vector.broadcast %broadcast_in_dim3A : f32 to vector<8x128xf32>
      %swap3A_416 = arith.constant 0 : index
      %swap3A_417 = arith.constant 0 : index
      %swap3A_418 = vector.load %arg6[%swap3A_416, %swap3A_417] : memref<8x128xf32, #tpu.memory_space<vmem>>, vector<8x128xf32>
      tpu.vector_store %arg6[%swap3A_416, %swap3A_417], %broadcast_in_dim3A_415 {strides = array<i32>} : memref<8x128xf32, #tpu.memory_space<vmem>>, vector<8x128xf32>,
    } else {
    }
    %get3A = arith.constant 0 : index
    %get3A_2 = arith.constant 0 : index
    %get3A_3 = vector.load %arg3[%get3A, %get3A_2] : memref<256x3xf32, #tpu.memory_space<vmem>>, vector<256x1xf32>
    %get3A_4 = arith.constant 0 : index
    %get3A_5 = arith.constant 1 : index
    %get3A_6 = vector.load %arg3[%get3A_4, %get3A_5] : memref<256x3xf32, #tpu.memory_space<vmem>>, vector<256x1xf32>
    %get3A_7 = arith.constant 0 : index
    %get3A_8 = arith.constant 2 : index
    %get3A_9 = vector.load %arg3[%get3A_7, %get3A_8] : memref<256x3xf32, #tpu.memory_space<vmem>>, vector<256x1xf32>
    %get3A_10 = arith.constant 0 : index
    %get3A_11 = arith.constant 0 : index
    %get3A_12 = vector.load %arg4[%get3A_10, %get3A_11] : memref<3x2048xf32, #tpu.memory_space<vmem>>, vector<1x2048xf32>
    %get3A_13 = arith.constant 1 : index
    %get3A_14 = arith.constant 0 : index
    %get3A_15 = vector.load %arg4[%get3A_13, %get3A_14] : memref<3x2048xf32, #tpu.memory_space<vmem>>, vector<1x2048xf32>
    %get3A_16 = arith.constant 2 : index
    %get3A_17 = arith.constant 0 : index
    %get3A_18 = vector.load %arg4[%get3A_16, %get3A_17] : memref<3x2048xf32, #tpu.memory_space<vmem>>, vector<1x2048xf32>
    %sub3A = vector.broadcast %get3A_3 : vector<256x1xf32> to vector<256x2048xf32>
    %sub3A_19 = vector.broadcast %get3A_12 : vector<1x2048xf32> to vector<256x2048xf32>
    %sub3A_20 = arith.subf %sub3A, %sub3A_19 : vector<256x2048xf32>
    %sub3A_21 = vector.broadcast %get3A_6 : vector<256x1xf32> to vector<256x2048xf32>
    %sub3A_22 = vector.broadcast %get3A_15 : vector<1x2048xf32> to vector<256x2048xf32>
    %sub3A_23 = arith.subf %sub3A_21, %sub3A_22 : vector<256x2048xf32>
    %sub3A_24 = vector.broadcast %get3A_9 : vector<256x1xf32> to vector<256x2048xf32>
    %sub3A_25 = vector.broadcast %get3A_18 : vector<1x2048xf32> to vector<256x2048xf32>
    %sub3A_26 = arith.subf %sub3A_24, %sub3A_25 : vector<256x2048xf32>
    %mul3A = arith.mulf %sub3A_20, %sub3A_20 : vector<256x2048xf32>
    %mul3A_27 = arith.mulf %sub3A_23, %sub3A_23 : vector<256x2048xf32>
    %add3A = arith.addf %mul3A, %mul3A_27 : vector<256x2048xf32>
    %mul3A_28 = arith.mulf %sub3A_26, %sub3A_26 : vector<256x2048xf32>
    %add3A_29 = arith.addf %add3A, %mul3A_28 : vector<256x2048xf32>
    %sqrt3A = math.sqrt %add3A_29 : vector<256x2048xf32>
    %get3A_30 = arith.constant 0 : index
    %get3A_31 = arith.constant 0 : index
    %get3A_32 = vector.load %arg5[%get3A_30, %get3A_31] : memref<256x2048xi32, #tpu.memory_space<vmem>>, vector<256x2048xi32>
    %convert_element_type3A_33 = arith.sitofp %get3A_32 : vector<256x2048xi32> to vector<256x2048xf32>
    %get3A_34 = arith.constant 5 : index
    %get3A_35 = arith.constant 0 : index
    %get3A_36 = vector.load %arg6[%get3A_34, %get3A_35] : memref<8x128xf32, #tpu.memory_space<vmem>>, vector<1x1xf32>
    %reduce_sum3A = vector.shape_cast %convert_element_type3A_33 : vector<256x2048xf32> to vector<1x256x2048xf32>
    %reduce_sum3A_37 = arith.constant dense<0.000000e+00> : vector<1xf32>
    %reduce_sum3A_38 = vector.multi_reduction <add>, %reduce_sum3A, %reduce_sum3A_37 [1, 2] : vector<1x256x2048xf32> to vector<1xf32>
    %reduce_sum3A_39 = vector.shape_cast %reduce_sum3A_38 : vector<1xf32> to vector<1x1x1xf32>
    %reduce_sum3A_40 = vector.extract %reduce_sum3A_39[0, 0, 0] : f32 from vector<1x1x1xf32>
    %reshape3A = vector.broadcast %reduce_sum3A_40 : f32 to vector<1x1xf32>
    %add3A_41 = arith.addf %get3A_36, %reshape3A : vector<1x1xf32>
    %swap3A = arith.constant 5 : index
    %swap3A_42 = arith.constant 0 : index
    %swap3A_43 = vector.load %arg6[%swap3A, %swap3A_42] : memref<8x128xf32, #tpu.memory_space<vmem>>, vector<1x1xf32>
    tpu.vector_store %arg6[%swap3A, %swap3A_42], %add3A_41 {strides = array<i32>} : memref<8x128xf32, #tpu.memory_space<vmem>>, vector<1x1xf32>,
    %sub3A_44 = arith.constant 1.000000e+00 : f32
    %sub3A_45 = vector.broadcast %sub3A_44 : f32 to vector<256x2048xf32>
    %sub3A_46 = arith.subf %sub3A_45, %convert_element_type3A_33 : vector<256x2048xf32>
    %mul3A_47 = arith.constant 1.000000e+30 : f32
    %mul3A_48 = vector.broadcast %mul3A_47 : f32 to vector<256x2048xf32>
    %mul3A_49 = arith.mulf %sub3A_46, %mul3A_48 : vector<256x2048xf32>
    %add3A_50 = arith.addf %sqrt3A, %mul3A_49 : vector<256x2048xf32>
    %get3A_51 = arith.constant 0 : index
    %get3A_52 = arith.constant 0 : index
    %get3A_53 = arith.constant 0 : index
    %get3A_54 = vector.load %arg1[%get3A_51, %get3A_52, %get3A_53] : memref<5x256x3xf32, #tpu.memory_space<vmem>>, vector<1x256x1xf32>
    %get3A_55 = vector.shape_cast %get3A_54 : vector<1x256x1xf32> to vector<256x1xf32>
    %get3A_56 = arith.constant 0 : index
    %get3A_57 = arith.constant 0 : index
    %get3A_58 = arith.constant 1 : index
    %get3A_59 = vector.load %arg1[%get3A_56, %get3A_57, %get3A_58] : memref<5x256x3xf32, #tpu.memory_space<vmem>>, vector<1x256x1xf32>
    %get3A_60 = vector.shape_cast %get3A_59 : vector<1x256x1xf32> to vector<256x1xf32>
    %get3A_61 = arith.constant 0 : index
    %get3A_62 = arith.constant 0 : index
    %get3A_63 = arith.constant 2 : index
    %get3A_64 = vector.load %arg1[%get3A_61, %get3A_62, %get3A_63] : memref<5x256x3xf32, #tpu.memory_space<vmem>>, vector<1x256x1xf32>
    %get3A_65 = vector.shape_cast %get3A_64 : vector<1x256x1xf32> to vector<256x1xf32>
    %get3A_66 = arith.constant 0 : index
    %get3A_67 = arith.constant 0 : index
    %get3A_68 = arith.constant 0 : index
    %get3A_69 = vector.load %arg2[%get3A_66, %get3A_67, %get3A_68] : memref<5x3x2048xf32, #tpu.memory_space<vmem>>, vector<1x1x2048xf32>
    %get3A_70 = vector.shape_cast %get3A_69 : vector<1x1x2048xf32> to vector<1x2048xf32>
    %get3A_71 = arith.constant 0 : index
    %get3A_72 = arith.constant 1 : index
    %get3A_73 = arith.constant 0 : index
    %get3A_74 = vector.load %arg2[%get3A_71, %get3A_72, %get3A_73] : memref<5x3x2048xf32, #tpu.memory_space<vmem>>, vector<1x1x2048xf32>
    %get3A_75 = vector.shape_cast %get3A_74 : vector<1x1x2048xf32> to vector<1x2048xf32>
    %get3A_76 = arith.constant 0 : index
    %get3A_77 = arith.constant 2 : index
    %get3A_78 = arith.constant 0 : index
    %get3A_79 = vector.load %arg2[%get3A_76, %get3A_77, %get3A_78] : memref<5x3x2048xf32, #tpu.memory_space<vmem>>, vector<1x1x2048xf32>
    %get3A_80 = vector.shape_cast %get3A_79 : vector<1x1x2048xf32> to vector<1x2048xf32>
    %sub3A_81 = vector.broadcast %get3A_55 : vector<256x1xf32> to vector<256x2048xf32>
    %sub3A_82 = vector.broadcast %get3A_70 : vector<1x2048xf32> to vector<256x2048xf32>
    %sub3A_83 = arith.subf %sub3A_81, %sub3A_82 : vector<256x2048xf32>
    %sub3A_84 = vector.broadcast %get3A_60 : vector<256x1xf32> to vector<256x2048xf32>
    %sub3A_85 = vector.broadcast %get3A_75 : vector<1x2048xf32> to vector<256x2048xf32>
    %sub3A_86 = arith.subf %sub3A_84, %sub3A_85 : vector<256x2048xf32>
    %sub3A_87 = vector.broadcast %get3A_65 : vector<256x1xf32> to vector<256x2048xf32>
    %sub3A_88 = vector.broadcast %get3A_80 : vector<1x2048xf32> to vector<256x2048xf32>
    %sub3A_89 = arith.subf %sub3A_87, %sub3A_88 : vector<256x2048xf32>
    %mul3A_90 = arith.mulf %sub3A_83, %sub3A_83 : vector<256x2048xf32>
    %mul3A_91 = arith.mulf %sub3A_86, %sub3A_86 : vector<256x2048xf32>
    %add3A_92 = arith.addf %mul3A_90, %mul3A_91 : vector<256x2048xf32>
    %mul3A_93 = arith.mulf %sub3A_89, %sub3A_89 : vector<256x2048xf32>
    %add3A_94 = arith.addf %add3A_92, %mul3A_93 : vector<256x2048xf32>
    %sqrt3A_95 = math.sqrt %add3A_94 : vector<256x2048xf32>
    %sub3A_96 = arith.subf %sqrt3A_95, %add3A_50 : vector<256x2048xf32>
    %abs3A = math.absf %sub3A_96 : vector<256x2048xf32>
    %bitcast_convert_type3A = tpu.bitcast %abs3A : vector<256x2048xf32> -> vector<256x2048xi32>
    %sub3A_97 = arith.constant 1090519039 : i32
    %sub3A_98 = vector.broadcast %sub3A_97 : i32 to vector<256x2048xi32>
    %sub3A_99 = arith.subi %sub3A_98, %bitcast_convert_type3A : vector<256x2048xi32>
    %shift_right_arithmetic3A = arith.constant 23 : i32
    %shift_right_arithmetic3A_100 = vector.broadcast %shift_right_arithmetic3A : i32 to vector<256x2048xi32>
    %shift_right_arithmetic3A_101 = arith.shrsi %sub3A_99, %shift_right_arithmetic3A_100 : vector<256x2048xi32>
    %jit3A = arith.constant 0 : i32
    %jit3A_102 = arith.constant 4 : i32
    %max3A = vector.broadcast %jit3A : i32 to vector<256x2048xi32>
    %max3A_103 = arith.maxsi %max3A, %shift_right_arithmetic3A_101 : vector<256x2048xi32>
    %min3A = vector.broadcast %jit3A_102 : i32 to vector<256x2048xi32>
    %min3A_104 = arith.minsi %min3A, %max3A_103 : vector<256x2048xi32>
    %convert_element_type3A_105 = arith.sitofp %min3A_104 : vector<256x2048xi32> to vector<256x2048xf32>
    %reduce_sum3A_106 = vector.shape_cast %convert_element_type3A_105 : vector<256x2048xf32> to vector<1x256x2048xf32>
    %reduce_sum3A_107 = arith.constant dense<0.000000e+00> : vector<1xf32>
    %reduce_sum3A_108 = vector.multi_reduction <add>, %reduce_sum3A_106, %reduce_sum3A_107 [1, 2] : vector<1x256x2048xf32> to vector<1xf32>
    %reduce_sum3A_109 = vector.shape_cast %reduce_sum3A_108 : vector<1xf32> to vector<1x1x1xf32>
    %reduce_sum3A_110 = vector.extract %reduce_sum3A_109[0, 0, 0] : f32 from vector<1x1x1xf32>
    %get3A_111 = arith.constant 0 : index
    %get3A_112 = arith.constant 0 : index
    %get3A_113 = vector.load %arg6[%get3A_111, %get3A_112] : memref<8x128xf32, #tpu.memory_space<vmem>>, vector<1x1xf32>
    %reshape3A_114 = vector.broadcast %reduce_sum3A_110 : f32 to vector<1x1xf32>
    %add3A_115 = arith.addf %get3A_113, %reshape3A_114 : vector<1x1xf32>
    %swap3A_116 = arith.constant 0 : index
    %swap3A_117 = arith.constant 0 : index
    %swap3A_118 = vector.load %arg6[%swap3A_116, %swap3A_117] : memref<8x128xf32, #tpu.memory_space<vmem>>, vector<1x1xf32>
    tpu.vector_store %arg6[%swap3A_116, %swap3A_117], %add3A_115 {strides = array<i32>} : memref<8x128xf32, #tpu.memory_space<vmem>>, vector<1x1xf32>,
    %get3A_119 = arith.constant 1 : index
    %get3A_120 = arith.constant 0 : index
    %get3A_121 = arith.constant 0 : index
    %get3A_122 = vector.load %arg1[%get3A_119, %get3A_120, %get3A_121] : memref<5x256x3xf32, #tpu.memory_space<vmem>>, vector<1x256x1xf32>
    %get3A_123 = vector.shape_cast %get3A_122 : vector<1x256x1xf32> to vector<256x1xf32>
    %get3A_124 = arith.constant 1 : index
    %get3A_125 = arith.constant 0 : index
    %get3A_126 = arith.constant 1 : index
    %get3A_127 = vector.load %arg1[%get3A_124, %get3A_125, %get3A_126] : memref<5x256x3xf32, #tpu.memory_space<vmem>>, vector<1x256x1xf32>
    %get3A_128 = vector.shape_cast %get3A_127 : vector<1x256x1xf32> to vector<256x1xf32>
    %get3A_129 = arith.constant 1 : index
    %get3A_130 = arith.constant 0 : index
    %get3A_131 = arith.constant 2 : index
    %get3A_132 = vector.load %arg1[%get3A_129, %get3A_130, %get3A_131] : memref<5x256x3xf32, #tpu.memory_space<vmem>>, vector<1x256x1xf32>
    %get3A_133 = vector.shape_cast %get3A_132 : vector<1x256x1xf32> to vector<256x1xf32>
    %get3A_134 = arith.constant 1 : index
    %get3A_135 = arith.constant 0 : index
    %get3A_136 = arith.constant 0 : index
    %get3A_137 = vector.load %arg2[%get3A_134, %get3A_135, %get3A_136] : memref<5x3x2048xf32, #tpu.memory_space<vmem>>, vector<1x1x2048xf32>
    %get3A_138 = vector.shape_cast %get3A_137 : vector<1x1x2048xf32> to vector<1x2048xf32>
    %get3A_139 = arith.constant 1 : index
    %get3A_140 = arith.constant 1 : index
    %get3A_141 = arith.constant 0 : index
    %get3A_142 = vector.load %arg2[%get3A_139, %get3A_140, %get3A_141] : memref<5x3x2048xf32, #tpu.memory_space<vmem>>, vector<1x1x2048xf32>
    %get3A_143 = vector.shape_cast %get3A_142 : vector<1x1x2048xf32> to vector<1x2048xf32>
    %get3A_144 = arith.constant 1 : index
    %get3A_145 = arith.constant 2 : index
    %get3A_146 = arith.constant 0 : index
    %get3A_147 = vector.load %arg2[%get3A_144, %get3A_145, %get3A_146] : memref<5x3x2048xf32, #tpu.memory_space<vmem>>, vector<1x1x2048xf32>
    %get3A_148 = vector.shape_cast %get3A_147 : vector<1x1x2048xf32> to vector<1x2048xf32>
    %sub3A_149 = vector.broadcast %get3A_123 : vector<256x1xf32> to vector<256x2048xf32>
    %sub3A_150 = vector.broadcast %get3A_138 : vector<1x2048xf32> to vector<256x2048xf32>
    %sub3A_151 = arith.subf %sub3A_149, %sub3A_150 : vector<256x2048xf32>
    %sub3A_152 = vector.broadcast %get3A_128 : vector<256x1xf32> to vector<256x2048xf32>
    %sub3A_153 = vector.broadcast %get3A_143 : vector<1x2048xf32> to vector<256x2048xf32>
    %sub3A_154 = arith.subf %sub3A_152, %sub3A_153 : vector<256x2048xf32>
    %sub3A_155 = vector.broadcast %get3A_133 : vector<256x1xf32> to vector<256x2048xf32>
    %sub3A_156 = vector.broadcast %get3A_148 : vector<1x2048xf32> to vector<256x2048xf32>
    %sub3A_157 = arith.subf %sub3A_155, %sub3A_156 : vector<256x2048xf32>
    %mul3A_158 = arith.mulf %sub3A_151, %sub3A_151 : vector<256x2048xf32>
    %mul3A_159 = arith.mulf %sub3A_154, %sub3A_154 : vector<256x2048xf32>
    %add3A_160 = arith.addf %mul3A_158, %mul3A_159 : vector<256x2048xf32>
    %mul3A_161 = arith.mulf %sub3A_157, %sub3A_157 : vector<256x2048xf32>
    %add3A_162 = arith.addf %add3A_160, %mul3A_161 : vector<256x2048xf32>
    %sqrt3A_163 = math.sqrt %add3A_162 : vector<256x2048xf32>
    %sub3A_164 = arith.subf %sqrt3A_163, %add3A_50 : vector<256x2048xf32>
    %abs3A_165 = math.absf %sub3A_164 : vector<256x2048xf32>
    %bitcast_convert_type3A_166 = tpu.bitcast %abs3A_165 : vector<256x2048xf32> -> vector<256x2048xi32>
    %sub3A_167 = arith.constant 1090519039 : i32
    %sub3A_168 = vector.broadcast %sub3A_167 : i32 to vector<256x2048xi32>
    %sub3A_169 = arith.subi %sub3A_168, %bitcast_convert_type3A_166 : vector<256x2048xi32>
    %shift_right_arithmetic3A_170 = arith.constant 23 : i32
    %shift_right_arithmetic3A_171 = vector.broadcast %shift_right_arithmetic3A_170 : i32 to vector<256x2048xi32>
    %shift_right_arithmetic3A_172 = arith.shrsi %sub3A_169, %shift_right_arithmetic3A_171 : vector<256x2048xi32>
    %jit3A_173 = arith.constant 0 : i32
    %jit3A_174 = arith.constant 4 : i32
    %max3A_175 = vector.broadcast %jit3A_173 : i32 to vector<256x2048xi32>
    %max3A_176 = arith.maxsi %max3A_175, %shift_right_arithmetic3A_172 : vector<256x2048xi32>
    %min3A_177 = vector.broadcast %jit3A_174 : i32 to vector<256x2048xi32>
    %min3A_178 = arith.minsi %min3A_177, %max3A_176 : vector<256x2048xi32>
    %convert_element_type3A_179 = arith.sitofp %min3A_178 : vector<256x2048xi32> to vector<256x2048xf32>
    %reduce_sum3A_180 = vector.shape_cast %convert_element_type3A_179 : vector<256x2048xf32> to vector<1x256x2048xf32>
    %reduce_sum3A_181 = arith.constant dense<0.000000e+00> : vector<1xf32>
    %reduce_sum3A_182 = vector.multi_reduction <add>, %reduce_sum3A_180, %reduce_sum3A_181 [1, 2] : vector<1x256x2048xf32> to vector<1xf32>
    %reduce_sum3A_183 = vector.shape_cast %reduce_sum3A_182 : vector<1xf32> to vector<1x1x1xf32>
    %reduce_sum3A_184 = vector.extract %reduce_sum3A_183[0, 0, 0] : f32 from vector<1x1x1xf32>
    %get3A_185 = arith.constant 1 : index
    %get3A_186 = arith.constant 0 : index
    %get3A_187 = vector.load %arg6[%get3A_185, %get3A_186] : memref<8x128xf32, #tpu.memory_space<vmem>>, vector<1x1xf32>
    %reshape3A_188 = vector.broadcast %reduce_sum3A_184 : f32 to vector<1x1xf32>
    %add3A_189 = arith.addf %get3A_187, %reshape3A_188 : vector<1x1xf32>
    %swap3A_190 = arith.constant 1 : index
    %swap3A_191 = arith.constant 0 : index
    %swap3A_192 = vector.load %arg6[%swap3A_190, %swap3A_191] : memref<8x128xf32, #tpu.memory_space<vmem>>, vector<1x1xf32>
    tpu.vector_store %arg6[%swap3A_190, %swap3A_191], %add3A_189 {strides = array<i32>} : memref<8x128xf32, #tpu.memory_space<vmem>>, vector<1x1xf32>,
    %get3A_193 = arith.constant 2 : index
    %get3A_194 = arith.constant 0 : index
    %get3A_195 = arith.constant 0 : index
    %get3A_196 = vector.load %arg1[%get3A_193, %get3A_194, %get3A_195] : memref<5x256x3xf32, #tpu.memory_space<vmem>>, vector<1x256x1xf32>
    %get3A_197 = vector.shape_cast %get3A_196 : vector<1x256x1xf32> to vector<256x1xf32>
    %get3A_198 = arith.constant 2 : index
    %get3A_199 = arith.constant 0 : index
    %get3A_200 = arith.constant 1 : index
    %get3A_201 = vector.load %arg1[%get3A_198, %get3A_199, %get3A_200] : memref<5x256x3xf32, #tpu.memory_space<vmem>>, vector<1x256x1xf32>
    %get3A_202 = vector.shape_cast %get3A_201 : vector<1x256x1xf32> to vector<256x1xf32>
    %get3A_203 = arith.constant 2 : index
    %get3A_204 = arith.constant 0 : index
    %get3A_205 = arith.constant 2 : index
    %get3A_206 = vector.load %arg1[%get3A_203, %get3A_204, %get3A_205] : memref<5x256x3xf32, #tpu.memory_space<vmem>>, vector<1x256x1xf32>
    %get3A_207 = vector.shape_cast %get3A_206 : vector<1x256x1xf32> to vector<256x1xf32>
    %get3A_208 = arith.constant 2 : index
    %get3A_209 = arith.constant 0 : index
    %get3A_210 = arith.constant 0 : index
    %get3A_211 = vector.load %arg2[%get3A_208, %get3A_209, %get3A_210] : memref<5x3x2048xf32, #tpu.memory_space<vmem>>, vector<1x1x2048xf32>
    %get3A_212 = vector.shape_cast %get3A_211 : vector<1x1x2048xf32> to vector<1x2048xf32>
    %get3A_213 = arith.constant 2 : index
    %get3A_214 = arith.constant 1 : index
    %get3A_215 = arith.constant 0 : index
    %get3A_216 = vector.load %arg2[%get3A_213, %get3A_214, %get3A_215] : memref<5x3x2048xf32, #tpu.memory_space<vmem>>, vector<1x1x2048xf32>
    %get3A_217 = vector.shape_cast %get3A_216 : vector<1x1x2048xf32> to vector<1x2048xf32>
    %get3A_218 = arith.constant 2 : index
    %get3A_219 = arith.constant 2 : index
    %get3A_220 = arith.constant 0 : index
    %get3A_221 = vector.load %arg2[%get3A_218, %get3A_219, %get3A_220] : memref<5x3x2048xf32, #tpu.memory_space<vmem>>, vector<1x1x2048xf32>
    %get3A_222 = vector.shape_cast %get3A_221 : vector<1x1x2048xf32> to vector<1x2048xf32>
    %sub3A_223 = vector.broadcast %get3A_197 : vector<256x1xf32> to vector<256x2048xf32>
    %sub3A_224 = vector.broadcast %get3A_212 : vector<1x2048xf32> to vector<256x2048xf32>
    %sub3A_225 = arith.subf %sub3A_223, %sub3A_224 : vector<256x2048xf32>
    %sub3A_226 = vector.broadcast %get3A_202 : vector<256x1xf32> to vector<256x2048xf32>
    %sub3A_227 = vector.broadcast %get3A_217 : vector<1x2048xf32> to vector<256x2048xf32>
    %sub3A_228 = arith.subf %sub3A_226, %sub3A_227 : vector<256x2048xf32>
    %sub3A_229 = vector.broadcast %get3A_207 : vector<256x1xf32> to vector<256x2048xf32>
    %sub3A_230 = vector.broadcast %get3A_222 : vector<1x2048xf32> to vector<256x2048xf32>
    %sub3A_231 = arith.subf %sub3A_229, %sub3A_230 : vector<256x2048xf32>
    %mul3A_232 = arith.mulf %sub3A_225, %sub3A_225 : vector<256x2048xf32>
    %mul3A_233 = arith.mulf %sub3A_228, %sub3A_228 : vector<256x2048xf32>
    %add3A_234 = arith.addf %mul3A_232, %mul3A_233 : vector<256x2048xf32>
    %mul3A_235 = arith.mulf %sub3A_231, %sub3A_231 : vector<256x2048xf32>
    %add3A_236 = arith.addf %add3A_234, %mul3A_235 : vector<256x2048xf32>
    %sqrt3A_237 = math.sqrt %add3A_236 : vector<256x2048xf32>
    %sub3A_238 = arith.subf %sqrt3A_237, %add3A_50 : vector<256x2048xf32>
    %abs3A_239 = math.absf %sub3A_238 : vector<256x2048xf32>
    %bitcast_convert_type3A_240 = tpu.bitcast %abs3A_239 : vector<256x2048xf32> -> vector<256x2048xi32>
    %sub3A_241 = arith.constant 1090519039 : i32
    %sub3A_242 = vector.broadcast %sub3A_241 : i32 to vector<256x2048xi32>
    %sub3A_243 = arith.subi %sub3A_242, %bitcast_convert_type3A_240 : vector<256x2048xi32>
    %shift_right_arithmetic3A_244 = arith.constant 23 : i32
    %shift_right_arithmetic3A_245 = vector.broadcast %shift_right_arithmetic3A_244 : i32 to vector<256x2048xi32>
    %shift_right_arithmetic3A_246 = arith.shrsi %sub3A_243, %shift_right_arithmetic3A_245 : vector<256x2048xi32>
    %jit3A_247 = arith.constant 0 : i32
    %jit3A_248 = arith.constant 4 : i32
    %max3A_249 = vector.broadcast %jit3A_247 : i32 to vector<256x2048xi32>
    %max3A_250 = arith.maxsi %max3A_249, %shift_right_arithmetic3A_246 : vector<256x2048xi32>
    %min3A_251 = vector.broadcast %jit3A_248 : i32 to vector<256x2048xi32>
    %min3A_252 = arith.minsi %min3A_251, %max3A_250 : vector<256x2048xi32>
    %convert_element_type3A_253 = arith.sitofp %min3A_252 : vector<256x2048xi32> to vector<256x2048xf32>
    %reduce_sum3A_254 = vector.shape_cast %convert_element_type3A_253 : vector<256x2048xf32> to vector<1x256x2048xf32>
    %reduce_sum3A_255 = arith.constant dense<0.000000e+00> : vector<1xf32>
    %reduce_sum3A_256 = vector.multi_reduction <add>, %reduce_sum3A_254, %reduce_sum3A_255 [1, 2] : vector<1x256x2048xf32> to vector<1xf32>
    %reduce_sum3A_257 = vector.shape_cast %reduce_sum3A_256 : vector<1xf32> to vector<1x1x1xf32>
    %reduce_sum3A_258 = vector.extract %reduce_sum3A_257[0, 0, 0] : f32 from vector<1x1x1xf32>
    %get3A_259 = arith.constant 2 : index
    %get3A_260 = arith.constant 0 : index
    %get3A_261 = vector.load %arg6[%get3A_259, %get3A_260] : memref<8x128xf32, #tpu.memory_space<vmem>>, vector<1x1xf32>
    %reshape3A_262 = vector.broadcast %reduce_sum3A_258 : f32 to vector<1x1xf32>
    %add3A_263 = arith.addf %get3A_261, %reshape3A_262 : vector<1x1xf32>
    %swap3A_264 = arith.constant 2 : index
    %swap3A_265 = arith.constant 0 : index
    %swap3A_266 = vector.load %arg6[%swap3A_264, %swap3A_265] : memref<8x128xf32, #tpu.memory_space<vmem>>, vector<1x1xf32>
    tpu.vector_store %arg6[%swap3A_264, %swap3A_265], %add3A_263 {strides = array<i32>} : memref<8x128xf32, #tpu.memory_space<vmem>>, vector<1x1xf32>,
    %get3A_267 = arith.constant 3 : index
    %get3A_268 = arith.constant 0 : index
    %get3A_269 = arith.constant 0 : index
    %get3A_270 = vector.load %arg1[%get3A_267, %get3A_268, %get3A_269] : memref<5x256x3xf32, #tpu.memory_space<vmem>>, vector<1x256x1xf32>
    %get3A_271 = vector.shape_cast %get3A_270 : vector<1x256x1xf32> to vector<256x1xf32>
    %get3A_272 = arith.constant 3 : index
    %get3A_273 = arith.constant 0 : index
    %get3A_274 = arith.constant 1 : index
    %get3A_275 = vector.load %arg1[%get3A_272, %get3A_273, %get3A_274] : memref<5x256x3xf32, #tpu.memory_space<vmem>>, vector<1x256x1xf32>
    %get3A_276 = vector.shape_cast %get3A_275 : vector<1x256x1xf32> to vector<256x1xf32>
    %get3A_277 = arith.constant 3 : index
    %get3A_278 = arith.constant 0 : index
    %get3A_279 = arith.constant 2 : index
    %get3A_280 = vector.load %arg1[%get3A_277, %get3A_278, %get3A_279] : memref<5x256x3xf32, #tpu.memory_space<vmem>>, vector<1x256x1xf32>
    %get3A_281 = vector.shape_cast %get3A_280 : vector<1x256x1xf32> to vector<256x1xf32>
    %get3A_282 = arith.constant 3 : index
    %get3A_283 = arith.constant 0 : index
    %get3A_284 = arith.constant 0 : index
    %get3A_285 = vector.load %arg2[%get3A_282, %get3A_283, %get3A_284] : memref<5x3x2048xf32, #tpu.memory_space<vmem>>, vector<1x1x2048xf32>
    %get3A_286 = vector.shape_cast %get3A_285 : vector<1x1x2048xf32> to vector<1x2048xf32>
    %get3A_287 = arith.constant 3 : index
    %get3A_288 = arith.constant 1 : index
    %get3A_289 = arith.constant 0 : index
    %get3A_290 = vector.load %arg2[%get3A_287, %get3A_288, %get3A_289] : memref<5x3x2048xf32, #tpu.memory_space<vmem>>, vector<1x1x2048xf32>
    %get3A_291 = vector.shape_cast %get3A_290 : vector<1x1x2048xf32> to vector<1x2048xf32>
    %get3A_292 = arith.constant 3 : index
    %get3A_293 = arith.constant 2 : index
    %get3A_294 = arith.constant 0 : index
    %get3A_295 = vector.load %arg2[%get3A_292, %get3A_293, %get3A_294] : memref<5x3x2048xf32, #tpu.memory_space<vmem>>, vector<1x1x2048xf32>
    %get3A_296 = vector.shape_cast %get3A_295 : vector<1x1x2048xf32> to vector<1x2048xf32>
    %sub3A_297 = vector.broadcast %get3A_271 : vector<256x1xf32> to vector<256x2048xf32>
    %sub3A_298 = vector.broadcast %get3A_286 : vector<1x2048xf32> to vector<256x2048xf32>
    %sub3A_299 = arith.subf %sub3A_297, %sub3A_298 : vector<256x2048xf32>
    %sub3A_300 = vector.broadcast %get3A_276 : vector<256x1xf32> to vector<256x2048xf32>
    %sub3A_301 = vector.broadcast %get3A_291 : vector<1x2048xf32> to vector<256x2048xf32>
    %sub3A_302 = arith.subf %sub3A_300, %sub3A_301 : vector<256x2048xf32>
    %sub3A_303 = vector.broadcast %get3A_281 : vector<256x1xf32> to vector<256x2048xf32>
    %sub3A_304 = vector.broadcast %get3A_296 : vector<1x2048xf32> to vector<256x2048xf32>
    %sub3A_305 = arith.subf %sub3A_303, %sub3A_304 : vector<256x2048xf32>
    %mul3A_306 = arith.mulf %sub3A_299, %sub3A_299 : vector<256x2048xf32>
    %mul3A_307 = arith.mulf %sub3A_302, %sub3A_302 : vector<256x2048xf32>
    %add3A_308 = arith.addf %mul3A_306, %mul3A_307 : vector<256x2048xf32>
    %mul3A_309 = arith.mulf %sub3A_305, %sub3A_305 : vector<256x2048xf32>
    %add3A_310 = arith.addf %add3A_308, %mul3A_309 : vector<256x2048xf32>
    %sqrt3A_311 = math.sqrt %add3A_310 : vector<256x2048xf32>
    %sub3A_312 = arith.subf %sqrt3A_311, %add3A_50 : vector<256x2048xf32>
    %abs3A_313 = math.absf %sub3A_312 : vector<256x2048xf32>
    %bitcast_convert_type3A_314 = tpu.bitcast %abs3A_313 : vector<256x2048xf32> -> vector<256x2048xi32>
    %sub3A_315 = arith.constant 1090519039 : i32
    %sub3A_316 = vector.broadcast %sub3A_315 : i32 to vector<256x2048xi32>
    %sub3A_317 = arith.subi %sub3A_316, %bitcast_convert_type3A_314 : vector<256x2048xi32>
    %shift_right_arithmetic3A_318 = arith.constant 23 : i32
    %shift_right_arithmetic3A_319 = vector.broadcast %shift_right_arithmetic3A_318 : i32 to vector<256x2048xi32>
    %shift_right_arithmetic3A_320 = arith.shrsi %sub3A_317, %shift_right_arithmetic3A_319 : vector<256x2048xi32>
    %jit3A_321 = arith.constant 0 : i32
    %jit3A_322 = arith.constant 4 : i32
    %max3A_323 = vector.broadcast %jit3A_321 : i32 to vector<256x2048xi32>
    %max3A_324 = arith.maxsi %max3A_323, %shift_right_arithmetic3A_320 : vector<256x2048xi32>
    %min3A_325 = vector.broadcast %jit3A_322 : i32 to vector<256x2048xi32>
    %min3A_326 = arith.minsi %min3A_325, %max3A_324 : vector<256x2048xi32>
    %convert_element_type3A_327 = arith.sitofp %min3A_326 : vector<256x2048xi32> to vector<256x2048xf32>
    %reduce_sum3A_328 = vector.shape_cast %convert_element_type3A_327 : vector<256x2048xf32> to vector<1x256x2048xf32>
    %reduce_sum3A_329 = arith.constant dense<0.000000e+00> : vector<1xf32>
    %reduce_sum3A_330 = vector.multi_reduction <add>, %reduce_sum3A_328, %reduce_sum3A_329 [1, 2] : vector<1x256x2048xf32> to vector<1xf32>
    %reduce_sum3A_331 = vector.shape_cast %reduce_sum3A_330 : vector<1xf32> to vector<1x1x1xf32>
    %reduce_sum3A_332 = vector.extract %reduce_sum3A_331[0, 0, 0] : f32 from vector<1x1x1xf32>
    %get3A_333 = arith.constant 3 : index
    %get3A_334 = arith.constant 0 : index
    %get3A_335 = vector.load %arg6[%get3A_333, %get3A_334] : memref<8x128xf32, #tpu.memory_space<vmem>>, vector<1x1xf32>
    %reshape3A_336 = vector.broadcast %reduce_sum3A_332 : f32 to vector<1x1xf32>
    %add3A_337 = arith.addf %get3A_335, %reshape3A_336 : vector<1x1xf32>
    %swap3A_338 = arith.constant 3 : index
    %swap3A_339 = arith.constant 0 : index
    %swap3A_340 = vector.load %arg6[%swap3A_338, %swap3A_339] : memref<8x128xf32, #tpu.memory_space<vmem>>, vector<1x1xf32>
    tpu.vector_store %arg6[%swap3A_338, %swap3A_339], %add3A_337 {strides = array<i32>} : memref<8x128xf32, #tpu.memory_space<vmem>>, vector<1x1xf32>,
    %get3A_341 = arith.constant 4 : index
    %get3A_342 = arith.constant 0 : index
    %get3A_343 = arith.constant 0 : index
    %get3A_344 = vector.load %arg1[%get3A_341, %get3A_342, %get3A_343] : memref<5x256x3xf32, #tpu.memory_space<vmem>>, vector<1x256x1xf32>
    %get3A_345 = vector.shape_cast %get3A_344 : vector<1x256x1xf32> to vector<256x1xf32>
    %get3A_346 = arith.constant 4 : index
    %get3A_347 = arith.constant 0 : index
    %get3A_348 = arith.constant 1 : index
    %get3A_349 = vector.load %arg1[%get3A_346, %get3A_347, %get3A_348] : memref<5x256x3xf32, #tpu.memory_space<vmem>>, vector<1x256x1xf32>
    %get3A_350 = vector.shape_cast %get3A_349 : vector<1x256x1xf32> to vector<256x1xf32>
    %get3A_351 = arith.constant 4 : index
    %get3A_352 = arith.constant 0 : index
    %get3A_353 = arith.constant 2 : index
    %get3A_354 = vector.load %arg1[%get3A_351, %get3A_352, %get3A_353] : memref<5x256x3xf32, #tpu.memory_space<vmem>>, vector<1x256x1xf32>
    %get3A_355 = vector.shape_cast %get3A_354 : vector<1x256x1xf32> to vector<256x1xf32>
    %get3A_356 = arith.constant 4 : index
    %get3A_357 = arith.constant 0 : index
    %get3A_358 = arith.constant 0 : index
    %get3A_359 = vector.load %arg2[%get3A_356, %get3A_357, %get3A_358] : memref<5x3x2048xf32, #tpu.memory_space<vmem>>, vector<1x1x2048xf32>
    %get3A_360 = vector.shape_cast %get3A_359 : vector<1x1x2048xf32> to vector<1x2048xf32>
    %get3A_361 = arith.constant 4 : index
    %get3A_362 = arith.constant 1 : index
    %get3A_363 = arith.constant 0 : index
    %get3A_364 = vector.load %arg2[%get3A_361, %get3A_362, %get3A_363] : memref<5x3x2048xf32, #tpu.memory_space<vmem>>, vector<1x1x2048xf32>
    %get3A_365 = vector.shape_cast %get3A_364 : vector<1x1x2048xf32> to vector<1x2048xf32>
    %get3A_366 = arith.constant 4 : index
    %get3A_367 = arith.constant 2 : index
    %get3A_368 = arith.constant 0 : index
    %get3A_369 = vector.load %arg2[%get3A_366, %get3A_367, %get3A_368] : memref<5x3x2048xf32, #tpu.memory_space<vmem>>, vector<1x1x2048xf32>
    %get3A_370 = vector.shape_cast %get3A_369 : vector<1x1x2048xf32> to vector<1x2048xf32>
    %sub3A_371 = vector.broadcast %get3A_345 : vector<256x1xf32> to vector<256x2048xf32>
    %sub3A_372 = vector.broadcast %get3A_360 : vector<1x2048xf32> to vector<256x2048xf32>
    %sub3A_373 = arith.subf %sub3A_371, %sub3A_372 : vector<256x2048xf32>
    %sub3A_374 = vector.broadcast %get3A_350 : vector<256x1xf32> to vector<256x2048xf32>
    %sub3A_375 = vector.broadcast %get3A_365 : vector<1x2048xf32> to vector<256x2048xf32>
    %sub3A_376 = arith.subf %sub3A_374, %sub3A_375 : vector<256x2048xf32>
    %sub3A_377 = vector.broadcast %get3A_355 : vector<256x1xf32> to vector<256x2048xf32>
    %sub3A_378 = vector.broadcast %get3A_370 : vector<1x2048xf32> to vector<256x2048xf32>
    %sub3A_379 = arith.subf %sub3A_377, %sub3A_378 : vector<256x2048xf32>
    %mul3A_380 = arith.mulf %sub3A_373, %sub3A_373 : vector<256x2048xf32>
    %mul3A_381 = arith.mulf %sub3A_376, %sub3A_376 : vector<256x2048xf32>
    %add3A_382 = arith.addf %mul3A_380, %mul3A_381 : vector<256x2048xf32>
    %mul3A_383 = arith.mulf %sub3A_379, %sub3A_379 : vector<256x2048xf32>
    %add3A_384 = arith.addf %add3A_382, %mul3A_383 : vector<256x2048xf32>
    %sqrt3A_385 = math.sqrt %add3A_384 : vector<256x2048xf32>
    %sub3A_386 = arith.subf %sqrt3A_385, %add3A_50 : vector<256x2048xf32>
    %abs3A_387 = math.absf %sub3A_386 : vector<256x2048xf32>
    %bitcast_convert_type3A_388 = tpu.bitcast %abs3A_387 : vector<256x2048xf32> -> vector<256x2048xi32>
    %sub3A_389 = arith.constant 1090519039 : i32
    %sub3A_390 = vector.broadcast %sub3A_389 : i32 to vector<256x2048xi32>
    %sub3A_391 = arith.subi %sub3A_390, %bitcast_convert_type3A_388 : vector<256x2048xi32>
    %shift_right_arithmetic3A_392 = arith.constant 23 : i32
    %shift_right_arithmetic3A_393 = vector.broadcast %shift_right_arithmetic3A_392 : i32 to vector<256x2048xi32>
    %shift_right_arithmetic3A_394 = arith.shrsi %sub3A_391, %shift_right_arithmetic3A_393 : vector<256x2048xi32>
    %jit3A_395 = arith.constant 0 : i32
    %jit3A_396 = arith.constant 4 : i32
    %max3A_397 = vector.broadcast %jit3A_395 : i32 to vector<256x2048xi32>
    %max3A_398 = arith.maxsi %max3A_397, %shift_right_arithmetic3A_394 : vector<256x2048xi32>
    %min3A_399 = vector.broadcast %jit3A_396 : i32 to vector<256x2048xi32>
    %min3A_400 = arith.minsi %min3A_399, %max3A_398 : vector<256x2048xi32>
    %convert_element_type3A_401 = arith.sitofp %min3A_400 : vector<256x2048xi32> to vector<256x2048xf32>
    %reduce_sum3A_402 = vector.shape_cast %convert_element_type3A_401 : vector<256x2048xf32> to vector<1x256x2048xf32>
    %reduce_sum3A_403 = arith.constant dense<0.000000e+00> : vector<1xf32>
    %reduce_sum3A_404 = vector.multi_reduction <add>, %reduce_sum3A_402, %reduce_sum3A_403 [1, 2] : vector<1x256x2048xf32> to vector<1xf32>
    %reduce_sum3A_405 = vector.shape_cast %reduce_sum3A_404 : vector<1xf32> to vector<1x1x1xf32>
    %reduce_sum3A_406 = vector.extract %reduce_sum3A_405[0, 0, 0] : f32 from vector<1x1x1xf32>
    %get3A_407 = arith.constant 4 : index
    %get3A_408 = arith.constant 0 : index
    %get3A_409 = vector.load %arg6[%get3A_407, %get3A_408] : memref<8x128xf32, #tpu.memory_space<vmem>>, vector<1x1xf32>
    %reshape3A_410 = vector.broadcast %reduce_sum3A_406 : f32 to vector<1x1xf32>
    %add3A_411 = arith.addf %get3A_409, %reshape3A_410 : vector<1x1xf32>
    %swap3A_412 = arith.constant 4 : index
    %swap3A_413 = arith.constant 0 : index
    %swap3A_414 = vector.load %arg6[%swap3A_412, %swap3A_413] : memref<8x128xf32, #tpu.memory_space<vmem>>, vector<1x1xf32>
    tpu.vector_store %arg6[%swap3A_412, %swap3A_413], %add3A_411 {strides = array<i32>} : memref<8x128xf32, #tpu.memory_space<vmem>>, vector<1x1xf32>,
    return
  }
  func.func @transform_0(%arg0: i32) -> (i32, i32, i32) {
    %add3A = arith.constant 1 : i32
    %add3A_0 = arith.addi %arg0, %add3A : i32
    %c0_i32 = arith.constant 0 : i32
    %c0_i32_1 = arith.constant 0 : i32
    %c0_i32_2 = arith.constant 0 : i32
    return %c0_i32, %add3A_0, %c0_i32_1 : i32, i32, i32
  }
  func.func @transform_1(%arg0: i32) -> (i32, i32, i32) {
    %c0_i32 = arith.constant 0 : i32
    %c0_i32_0 = arith.constant 0 : i32
    %c0_i32_1 = arith.constant 0 : i32
    %c0_i32_2 = arith.constant 0 : i32
    return %c0_i32, %c0_i32_0, %c0_i32_1 : i32, i32, i32
  }
  func.func @transform_2(%arg0: i32) -> (i32, i32) {
    %add3A = arith.constant 1 : i32
    %add3A_0 = arith.addi %arg0, %add3A : i32
    %c0_i32 = arith.constant 0 : i32
    %c0_i32_1 = arith.constant 0 : i32
    return %add3A_0, %c0_i32 : i32, i32
  }
  func.func @transform_3(%arg0: i32) -> (i32, i32) {
    %c0_i32 = arith.constant 0 : i32
    %c0_i32_0 = arith.constant 0 : i32
    %c0_i32_1 = arith.constant 0 : i32
    return %c0_i32, %c0_i32_0 : i32, i32
  }
  func.func @transform_4(%arg0: i32) -> (i32, i32) {
    %add3A = arith.constant 1 : i32
    %add3A_0 = arith.addi %arg0, %add3A : i32
    %c0_i32 = arith.constant 0 : i32
    %c0_i32_1 = arith.constant 0 : i32
    return %add3A_0, %c0_i32 : i32, i32
  }
  func.func @transform_5(%arg0: i32) -> (i32, i32) {
    %c0_i32 = arith.constant 0 : i32
    %c0_i32_0 = arith.constant 0 : i32
    %c0_i32_1 = arith.constant 0 : i32
    return %c0_i32, %c0_i32_0 : i32, i32
  }
}

</mosaic_0001>

<sc_bundles>
// kernel: kernel.4.cloned.1.call-start
scs
__scs_entry_jumppad:
0x0: {  	(pc) =	sbr.rel $0x88, $3  }
0x1: {  	(tag) =	ssettag $0x0;
	lr =	simm.s32 $0x1  }
0x2: {  	[smem:$0x3F9E] =	sst lr;
	_ =	strace $0xD0000000  }
0x3: {  	_ = 	snop  }
0x4: {  	_ = 	snop  }
0x5: {  	_ = 	snop  }
0x6: {  	_ = 	snop  }
0x7: {  	_ = 	snop  }
__scs_overlays_trampoline_lowered:
0x8: {  	[smem:$0x3FAD] =	sst s0  }
0x9: {  	[smem:$0x3FAE] =	sst s1  }
0xa: {  	[smem:$0x3FAF] =	sst s2  }
0xb: {  	[smem:$0x3FB0] =	sst s3  }
0xc: {  	[smem:$0x3FB1] =	sst s4  }
0xd: {  	[smem:$0x3FB2] =	sst s5  }
0xe: {  	[smem:$0x3FB3] =	sst s6  }
0xf: {  	[smem:$0x3FB4] =	sst s7  }
0x10: {  	[smem:$0x3FB5] =	sst s8  }
0x11: {  	[smem:$0x3FB6] =	sst s9;
	s0 =	simm.s32 @!p0 $0x0  }
0x12: {  	s1 =	sld [smem:$0x3F9C];
	s0 =	simm.s32 @p0 $0x1  }
0x13: {  	[smem:$0x3FB7] =	sst s0;
	s0 =	simm.s32 @!p1 $0x0  }
0x14: {  	s2 =	sld [smem:$0x3F9B];
	s0 =	simm.s32 @p1 $0x1  }
0x15: {  	[smem:$0x3FB8] =	sst s0;
	s0 =	simm.s32 @!p2 $0x0  }
0x16: {  	s3 =	sld [smem:$0x3FDB];
	s0 =	simm.s32 @p2 $0x1  }
0x17: {  	s4 =	simm.s32 $0x1BF5;
	[smem:$0x3FBA] =	sst s0  }
0x18: {  	s0 =	sld [smem:$0x3F9D];
	_ =	swait.ge [sflag:s4], $0x0  }
0x19: {  	s7 =	sld [smem:$0x3F9E]  }
0x1a: {  	s8 =	sadd.s32 $0xFFFFE003, lr  }
0x1b: {  	s9 =	sadd.s32 $0xFFFFFEF7, lr;
	s5 =	simm.s32 $0xFFFFFFFF;
	p2 =	slt.u32 s8, $0xFFFFF086  }
0x1c: {  	p1 =	slt.u32 s9, $0xF7A;
	s5 =	simm.s32 @!p2 $0x0  }
0x1d: {  	s5 =	simm.s32 @p1 $0x1;
	p0 =	seq.s32 s7, s2  }
0x1e: {  	s7 =	smul.u32 @!p0 $0xF7A, s2;
	p2 =	seq.s32 @!p0 s5, $0x0  }
0x1f: {  	s9 =	smul.u32 $0xF7A, s1;
	s8 =	simm.s32 @!p0 $0x1BF5;
	p2 =	por !p2, p0  }
0x20: {  	[sflag:s8] =	ssyncset.s32 @!p0 $0xFFFFF086;
	s6 =	sadd.s32 @!p0 s3, s7;
	s7 =	simm.s32 @!p0 $0x108  }
0x21: {  	s3 =	sadd.s32 s3, s9;
	s6 =	sadd.s32 @!p0 $0x88, s6;
	s7 =	simm.s32 @p2 $0x1082  }
0x22: {  	[simem:s7], [sflag:s8] =	dma.local @!p0 [hbm:s6], $0xF7A  }
0x23: {  	s9 =	sor.u32 $0xD0000000, s2;
	s6 =	simm.s32 $0x108;
	_ =	swait.ge @!p0 [sflag:s8], $0x0  }
0x24: {  	s3 =	sadd.s32 $0x88, s3;
	s6 =	simm.s32 @!p1 $0x1082;
	[sflag:s4] =	ssyncset.s32 $0xFFFFF086  }
0x25: {  	[simem:s6], [sflag:s4] =	dma.local [hbm:s3], $0xF7A  }
0x26: {  	[smem:$0x3F9E] =	sst s1;
	(tag) =	ssettag s2;
	_ =	strace s9  }
0x27: {  	s1 =	sld [smem:$0x3FAE]  }
0x28: {  	s2 =	sld [smem:$0x3FAF]  }
0x29: {  	s4 =	sld [smem:$0x3FB1]  }
0x2a: {  	p0 =	seq.s32 s5, $0x0;
	s5 =	sld [smem:$0x3FB2]  }
0x2b: {  	s6 =	sld [smem:$0x3FB3]  }
0x2c: {  	s7 =	sld [smem:$0x3FB4]  }
0x2d: {  	s3 =	simm.s32 $0x108;
	s8 =	sld [smem:$0x3FB5]  }
0x2e: {  	s3 =	simm.s32 @!p0 $0x1082;
	s9 =	sld [smem:$0x3FB6]  }
0x2f: {  	lr =	sadd.s32 s0, s3;
	s0 =	sld [smem:$0x3FAD]  }
0x30: {  	s3 =	sld [smem:$0x3FB0]  }
0x31: {  	[smem:$0x3FB9] =	sst s10  }
0x32: {  	s10 =	sld [smem:$0x3FB7];
	_ =	sdelay $0x3  }
0x33: {  	p0 =	seq.s32 s10, $0x1;
	s10 =	sld [smem:$0x3FB9];
	_ =	sdelay $0x3  }
0x34: {  	[smem:$0x3FB9] =	sst s10  }
0x35: {  	s10 =	sld [smem:$0x3FB8];
	_ =	sdelay $0x3  }
0x36: {  	p1 =	seq.s32 s10, $0x1;
	s10 =	sld [smem:$0x3FB9];
	_ =	sdelay $0x3  }
0x37: {  	[smem:$0x3FB9] =	sst s10  }
0x38: {  	s10 =	sld [smem:$0x3FBA]  }
0x39: {  	_ = 	snop;
	(pc) =	sbr.ind lr, $3  }
0x3a: {  	_ = 	snop  }
0x3b: {  	_ = 	snop  }
0x3c: {  	p2 =	seq.s32 s10, $0x1;
	s10 =	sld [smem:$0x3FB9]  }
0x3d: {  	_ =	shalt  }
0x3e: {  	_ =	shalt  }
0x3f: {  	_ =	shalt  }
0x40: {  	_ =	shalt  }
0x41: {  	_ =	shalt  }
0x42: {  	_ =	shalt  }
0x43: {  	_ =	shalt  }
0x44: {  	_ =	shalt  }
0x45: {  	_ =	shalt  }
0x46: {  	_ =	shalt  }
0x47: {  	_ =	shalt  }
0x48: {  	_ =	shalt  }
0x49: {  	_ =	shalt  }
0x4a: {  	_ =	shalt  }
0x4b: {  	_ =	shalt  }
0x4c: {  	_ =	shalt  }
0x4d: {  	_ =	shalt  }
0x4e: {  	_ =	shalt  }
0x4f: {  	_ =	shalt  }
0x50: {  	_ =	shalt  }
0x51: {  	_ =	shalt  }
0x52: {  	_ =	shalt  }
0x53: {  	_ =	shalt  }
0x54: {  	_ =	shalt  }
0x55: {  	_ =	shalt  }
0x56: {  	_ =	shalt  }
0x57: {  	_ =	shalt  }
0x58: {  	_ =	shalt  }
0x59: {  	_ =	shalt  }
0x5a: {  	_ =	shalt  }
0x5b: {  	_ =	shalt  }
0x5c: {  	_ =	shalt  }
0x5d: {  	_ =	shalt  }
0x5e: {  	_ =	shalt  }
0x5f: {  	_ =	shalt  }
0x60: {  	_ =	shalt  }
0x61: {  	_ =	shalt  }
0x62: {  	_ =	shalt  }
0x63: {  	_ =	shalt  }
0x64: {  	_ =	shalt  }
0x65: {  	_ =	shalt  }
0x66: {  	_ =	shalt  }
0x67: {  	_ =	shalt  }
0x68: {  	_ =	shalt  }
0x69: {  	_ =	shalt  }
0x6a: {  	_ =	shalt  }
0x6b: {  	_ =	shalt  }
0x6c: {  	_ =	shalt  }
0x6d: {  	_ =	shalt  }
0x6e: {  	_ =	shalt  }
0x6f: {  	_ =	shalt  }
0x70: {  	_ =	shalt  }
0x71: {  	_ =	shalt  }
0x72: {  	_ =	shalt  }
0x73: {  	_ =	shalt  }
0x74: {  	_ =	shalt  }
0x75: {  	_ =	shalt  }
0x76: {  	_ =	shalt  }
0x77: {  	_ =	shalt  }
0x78: {  	_ =	shalt  }
0x79: {  	_ =	shalt  }
0x7a: {  	_ =	shalt  }
0x7b: {  	_ =	shalt  }
0x7c: {  	_ =	shalt  }
0x7d: {  	_ =	shalt  }
0x7e: {  	_ =	shalt  }
0x7f: {  	_ =	shalt  }
0x80: {  	_ =	shalt  }
0x81: {  	_ =	shalt  }
0x82: {  	_ =	shalt  }
0x83: {  	_ =	shalt  }
0x84: {  	_ =	shalt  }
0x85: {  	_ =	shalt  }
0x86: {  	_ =	shalt  }
0x87: {  	_ =	shalt  }
.Lfunc_end0:
.L_simem_size_0:
called_computation_lowered:
.L_overlay_start_0:
0x88: {  	s2 =	sld [smem:$0x3FD9]  }
0x89: {  	s3 =	sld [smem:$0x3FFE];
	_ =	sdelay $0x1  }
0x8a: {  	s1 =	srdreg.scid  }
0x8b: {  	s0 =	sand.u32 $0x1, s1  }
0x8c: {  	s17 =	sshll.u32 s0, $0xA;
	s2 =	sadd.s32 s3, s2  }
0x8d: {  	s2 =	sadd.s32 s2, s17  }
0x8e: {  	[smem:$0x3FC5] =	sst s2  }
0x8f: {  	_ = 	snop  }
0x90: {  	s2 =	sld [smem:$0x3FC7];
	(tm) =	ssettm $0x1  }
0x91: {  	s18 =	sld [smem:$0x3FFB];
	_ =	sdelay $0x3  }
0x92: {  	_ =	strace s18  }
0x93: {  	s3 =	sld [smem:$0x3FFC];
	_ =	sdelay $0x3  }
0x94: {  	_ =	strace s3  }
0x95: {  	s3 =	sld [smem:$0x3FFD];
	_ =	sdelay $0x3  }
0x96: {  	_ =	strace s3  }
0x97: {  	_ =	strace $0x8FFFFFFF  }
0x98: {  	s19 =	sld [smem:$0x3FDB];
	_ =	sdelay $0x1  }
0x99: {  	s4 =	simm.s32 $_scs_section_size  }
0x9a: {  	s5 =	simm.s32 $_size__tile_overlayer_lowered;
	s6 =	simm.s32 $_tile_overlayer_lowered  }
0x9b: {  	s22 =	simm.s32 $0x1BFF;
	s21 =	sshll.u32 s6, $0x1;
	s3 =	sadd.s32 s4, s19  }
0x9c: {  	s7 =	simm.s32 $0x0;
	s20 =	sshll.u32 s5, $0x1;
	s5 =	sadd.s32 s21, s3  }
0x9d: {  	[timem:s7], [sflag:s22] =	dma.local [hbm:s5], s20  }
0x9e: {  	_ =	swait.ge [sflag:s22], s20  }
0x9f: {  	s4 =	ssub.s32 $0x0, s20;
	[sflag:s22] =	ssyncset.done $0x0  }
0xa0: {  	[sflag:s22] =	ssyncadd.s32 s4;
	_ =	sdelay $0x1  }
0xa1: {  	s23 =	simm.s32 $0x1B8B  }
0xa2: {  	_ =	swait.ge [sflag:s23], $0x1  }
0xa3: {  	[sflag:s23] =	ssyncset.done $0x0  }
0xa4: {  	s25 =	simm.s32 $0x1B8E;
	s24 =	sld [smem:$0x3FFE];
	[sflag:s23] =	ssyncadd.s32 $0xFFFFFFFF  }
0xa5: {  	s26 =	simm.s32 $execute0_lowered;
	[smem:$0x3FD2] =	sst s25  }
0xa6: {  	s5 =	sshll.u32 s26, $0x1;
	_ =	strace $0x80000046;
	[dreg:$0x1] =	wrdreg $0xFFFFFFFF  }
0xa7: {  	s28 =	simm.s32 $_size_execute0_lowered;
	s3 =	sadd.s32 s3, s5;
	[dreg:$0x0] =	wrdreg $0x0  }
0xa8: {  	s5 =	sshll.u32 s28, $0x1;
	[dreg:$0x2] =	wrdreg s3  }
0xa9: {  	[dreg:$0x3] =	wrdreg s5  }
0xaa: {  	[dreg:$0x4] =	wrdreg $0xC0  }
0xab: {  	_ =	task [dreg:s7], $0x5FFFF  }
0xac: {  	[dreg:$0x1] =	wrdreg $0xFFFFFFFF  }
0xad: {  	[dreg:$0x0] =	wrdreg $0x60  }
0xae: {  	[dreg:$0x2] =	wrdreg s24  }
0xaf: {  	[dreg:$0x3] =	wrdreg s2  }
0xb0: {  	[dreg:$0x4] =	wrdreg $0x9  }
0xb1: {  	_ =	task.clear_ibuf [dreg:s7], $0x5FFFF;
	_ =	strace $0x90000046  }
0xb2: {  	s29 =	simm.s32 $0x9;
	_ =	strace $0x80000048  }
0xb3: {  	_ =	swait.ge [sflag:s29], $0x1  }
0xb4: {  	[sflag:s29] =	ssyncadd.s32 $0xFFFFFFFF  }
0xb5: {  	_ =	strace $0x90000048  }
0xb6: {  	_ =	sfence  }
0xb7: {  	s30 =	sld [smem:$0x0];
	_ =	sdelay $0x2  }
0xb8: {  	s31 =	sshll.u32 s1, $0xD;
	s1 =	sshrl.u32 s1, $0x2  }
0xb9: {  	s3 =	sand.u32 $0x4000, s31;
	s1 =	sadd.s32 s1, s30  }
0xba: {  	s0 =	sor.u32 s3, s0;
	s1 =	sshll.u32 s1, $0x11  }
0xbb: {  	s0 =	sor.u32 s1, s0  }
0xbc: {  	s0 =	sadd.s32 $0x8F2B, s0  }
0xbd: {  	[sflag:s0] =	ssyncadd.remote.s32 $0x1  }
0xbe: {  	_ =	sfence.sel $0xFFFF  }
0xbf: {  	[dreg:$0x0] =	wrdreg $0xFFFFFFFF;
	(pc) =	sbr.abs _section_cstart, $3  }
0xc0: {  	[dreg:$0x1] =	wrdreg $0xFFFFFFFF  }
0xc1: {  	_ =	task.clear_ibuf [dreg:s7], $0x2FFFF;
	_ =	strace $0x9FFFFFFF  }
0xc2: {  	(tm) =	ssettm $0x7FFFFFFF  }
0xc3: {  	_ =	shalt  }
tec
execute0_lowered:
.L_overlay_start_1:
0x0: {  	(tag) =	ssettag $0x1  }
0x1: {  	s1 =	rddreg [dreg:$0x0]  }
0x2: {  	s6 =	rddreg [dreg:$0x1]  }
0x3: {  	s0 =	rddreg [dreg:$0x2]  }
0x4: {  	s3 =	simm.s32 $0x0;
	s4 =	srdreg.scid;
	s2 =	stileid.u32  }
0x5: {  	s10 =	simm.s32 $0x7800;
	s11 =	simm.s32 $0x12000;
	s12 =	simm.s32 $0x16000  }
0x6: {  	[smem:$0x7FF] =	sst s3;
	s4 =	sand.u32 $0x1, s4;
	s5 =	sshll.u32 s2, $0x1  }
0x7: {  	s13 =	simm.s32 $0x0;
	_ =	strace $0x80000047;
	s5 =	sor.u32 s4, s5  }
0x8: {  	s7 =	ssub.s32 $0x2, s4;
	s4 =	sadd.s32 $0x400, s1;
	s8 =	sshll.u32 s5, $0x7  }
0x9: {  	s9 =	sshrl.u32 s7, $0x1;
	s31 =	sshll.u32 s5, $0xB;
	s5 =	sshll.u32 s5, $0x3  }
0xa: {  	v0 =	vlaneseq.u32;
	s8 =	sadd.s32 s8, s1;
	s9 =	ssub.s32 s7, s9;
	s6 =	sadd.s32 s6, s31  }
0xb: {  	v1 =	vimm.f32 $0.0e+00;
	v0 =	vmul.u32 $0x3, v0;
	s7 =	sadd.s32 $0x1400, s8;
	s8 =	smax.u32 s9, $0x1;
	s9 =	simm.s32 $0x1  }
.LBB2_1:
0xc: {  	[tilespmem:s3], [sflag:$0x1] =	stream.linear.gather [hbm4b:s4+s3], $0x7800, $0x38;
	[tilespmem:$0x16400] =	vst v63  }
0xd: {  	_ =	swait.ge [sflag:s9], $0x7800  }
0xe: {  	[sflag:s9] =	ssyncset.done $0x0  }
0xf: {  	[sflag:s9] =	ssyncadd.s32 $0xFFFF8800  }
0x10: {  	[tilespmem:s10], [sflag:$0x1] =	stream.linear.gather [hbm4b:s1+s3], $0x1800, $0x38;
	[tilespmem:$0x16400] =	vst v63  }
0x11: {  	_ =	swait.ge [sflag:s9], $0x1800  }
0x12: {  	s14 =	simm.s32 $0x0;
	[sflag:s9] =	ssyncset.done $0x0  }
0x13: {  	v2 =	vadd.s32 s14, v0;
	[sflag:s9] =	ssyncadd.s32 $0xFFFFE800  }
0x14: {  	[tilespmem:s11], [sflag:$0x1] =	stream.linear.gather [hbm4b:s6+s3], $0x4000, $0x38;
	[tilespmem:$0x16400] =	vst v63  }
0x15: {  	_ =	swait.ge [sflag:s9], $0x4000  }
0x16: {  	[sflag:s9] =	ssyncset.done $0x0  }
0x17: {  	[sflag:s9] =	ssyncadd.s32 $0xFFFFC000  }
0x18: {  	s15 =	simm.s32 $0x1;
	v3 =	vld.idx.msk [tilespmem:v2+s10+$0x0], $0xffff  }
0x19: {  	v4 =	vadd.s32 s15, v0;
	_ =	sdelay $0x2  }
0x1a: {  	s15 =	simm.s32 $0x11800  }
0x1b: {  	[tilespmem:s15+$0xFFFFF000] =	vst v3  }
0x1c: {  	s16 =	simm.s32 $0x2;
	v3 =	vld.idx.msk [tilespmem:v4+s10+$0x0], $0xffff  }
0x1d: {  	v5 =	vadd.s32 s16, v0;
	_ =	sdelay $0x3  }
0x1e: {  	[tilespmem:s15+$0xFFFFF800] =	vst v3  }
0x1f: {  	v3 =	vld.idx.msk [tilespmem:v5+s10+$0x0], $0xffff;
	_ =	sdelay $0x4  }
0x20: {  	[tilespmem:s15+$0x0] =	vst v3  }
0x21: {  	v2 =	vld.idx.msk [tilespmem:v2+s3+$0x0], $0xffff;
	_ =	sdelay $0x3  }
0x22: {  	s17 =	simm.s32 $0xA000  }
0x23: {  	[tilespmem:s17+$0xFFFFF000] =	vst v2  }
0x24: {  	v2 =	vld.idx.msk [tilespmem:v4+s3+$0x0], $0xffff;
	_ =	sdelay $0x4  }
0x25: {  	[tilespmem:s17+$0xFFFFF800] =	vst v2  }
0x26: {  	s16 =	simm.s32 $0x1800;
	v2 =	vld.idx.msk [tilespmem:v5+s3+$0x0], $0xffff  }
0x27: {  	v3 =	vadd.s32 s16, v0;
	_ =	sdelay $0x3  }
0x28: {  	[tilespmem:s17+$0x0] =	vst v2  }
0x29: {  	s18 =	simm.s32 $0x1801;
	v2 =	vld.idx.msk [tilespmem:v3+s3+$0x0], $0xffff  }
0x2a: {  	v3 =	vadd.s32 s18, v0;
	_ =	sdelay $0x2  }
0x2b: {  	s21 =	sand.u32 $0x7F0, s3  }
0x2c: {  	[tilespmem:s21+$0xA800] =	vst v2  }
0x2d: {  	s19 =	simm.s32 $0x1802;
	v2 =	vld.idx.msk [tilespmem:v3+s3+$0x0], $0xffff  }
0x2e: {  	v3 =	vadd.s32 s19, v0;
	_ =	sdelay $0x3  }
0x2f: {  	[tilespmem:s21+$0xB000] =	vst v2  }
0x30: {  	s20 =	simm.s32 $0x3000;
	v2 =	vld.idx.msk [tilespmem:v3+s3+$0x0], $0xffff  }
0x31: {  	v3 =	vadd.s32 s20, v0;
	_ =	sdelay $0x3  }
0x32: {  	[tilespmem:s21+$0xB800] =	vst v2  }
0x33: {  	s22 =	simm.s32 $0x3001;
	v2 =	vld.idx.msk [tilespmem:v3+s3+$0x0], $0xffff  }
0x34: {  	v3 =	vadd.s32 s22, v0;
	_ =	sdelay $0x3  }
0x35: {  	[tilespmem:s21+$0xC000] =	vst v2  }
0x36: {  	s23 =	simm.s32 $0x3002;
	v2 =	vld.idx.msk [tilespmem:v3+s3+$0x0], $0xffff  }
0x37: {  	v3 =	vadd.s32 s23, v0;
	_ =	sdelay $0x3  }
0x38: {  	[tilespmem:s21+$0xC800] =	vst v2  }
0x39: {  	s24 =	simm.s32 $0x4800;
	v2 =	vld.idx.msk [tilespmem:v3+s3+$0x0], $0xffff  }
0x3a: {  	v3 =	vadd.s32 s24, v0;
	_ =	sdelay $0x3  }
0x3b: {  	[tilespmem:s21+$0xD000] =	vst v2  }
0x3c: {  	s25 =	simm.s32 $0x4801;
	v2 =	vld.idx.msk [tilespmem:v3+s3+$0x0], $0xffff  }
0x3d: {  	v3 =	vadd.s32 s25, v0;
	_ =	sdelay $0x3  }
0x3e: {  	[tilespmem:s21+$0xD800] =	vst v2  }
0x3f: {  	s26 =	simm.s32 $0x4802;
	v2 =	vld.idx.msk [tilespmem:v3+s3+$0x0], $0xffff  }
0x40: {  	v3 =	vadd.s32 s26, v0;
	_ =	sdelay $0x3  }
0x41: {  	[tilespmem:s21+$0xE000] =	vst v2  }
0x42: {  	s28 =	simm.s32 $0x6000;
	v2 =	vld.idx.msk [tilespmem:v3+s3+$0x0], $0xffff  }
0x43: {  	v3 =	vadd.s32 s28, v0;
	_ =	sdelay $0x3  }
0x44: {  	[tilespmem:s21+$0xE800] =	vst v2  }
0x45: {  	s29 =	simm.s32 $0x6001;
	v2 =	vld.idx.msk [tilespmem:v3+s3+$0x0], $0xffff  }
0x46: {  	v3 =	vadd.s32 s29, v0;
	_ =	sdelay $0x3  }
0x47: {  	[tilespmem:s21+$0xF000] =	vst v2  }
0x48: {  	s30 =	simm.s32 $0x6002;
	v2 =	vld.idx.msk [tilespmem:v3+s3+$0x0], $0xffff  }
0x49: {  	v3 =	vadd.s32 s30, v0;
	_ =	sdelay $0x3  }
0x4a: {  	[tilespmem:s21+$0xF800] =	vst v2  }
0x4b: {  	s31 =	simm.s32 $0x30;
	v3 =	vld.idx.msk [tilespmem:v3+s3+$0x0], $0xffff  }
0x4c: {  	v2 =	vadd.s32 s31, v0  }
0x4d: {  	s16 =	simm.s32 $0x6032  }
0x4e: {  	s17 =	simm.s32 $0x0;
	s18 =	simm.s32 $0xA010;
	s22 =	simm.s32 $0x6062  }
.LBB2_2:
0x4f: {  	s17 =	sadd.s32 $0x10, s17  }
0x50: {  	[tilespmem:s21+$0x10000] =	vst v3;
	s15 =	sadd.s32 $0x10, s15;
	s20 =	smov.u32 s22;
	s19 =	sadd.s32 $0x30, s22  }
0x51: {  	p0 =	sne.s32 s22, $0x77D2;
	v3 =	vld.idx.msk [tilespmem:v2+s10+$0x0], $0xffff  }
0x52: {  	s14 =	sadd.s32 $0xFFFF9FFF, s16  }
0x53: {  	v4 =	vadd.s32 s14, v0;
	_ =	sdelay $0x3  }
0x54: {  	[tilespmem:s15+$0xFFFFF000] =	vst v3  }
0x55: {  	v3 =	vld.idx.msk [tilespmem:v4+s10+$0x0], $0xffff  }
0x56: {  	s14 =	sadd.s32 $0xFFFFA000, s16  }
0x57: {  	v5 =	vadd.s32 s14, v0;
	_ =	sdelay $0x3  }
0x58: {  	[tilespmem:s15+$0xFFFFF800] =	vst v3  }
0x59: {  	v3 =	vld.idx.msk [tilespmem:v5+s10+$0x0], $0xffff;
	_ =	sdelay $0x5  }
0x5a: {  	s14 =	simm.s32 $0x0;
	[tilespmem:s15+$0x0] =	vst v3  }
0x5b: {  	v2 =	vld.idx.msk [tilespmem:v2+s14+$0x0], $0xffff;
	_ =	sdelay $0x5  }
0x5c: {  	[tilespmem:s18+$0xFFFFF000] =	vst v2  }
0x5d: {  	v2 =	vld.idx.msk [tilespmem:v4+s14+$0x0], $0xffff;
	_ =	sdelay $0x5  }
0x5e: {  	[tilespmem:s18+$0xFFFFF800] =	vst v2  }
0x5f: {  	v2 =	vld.idx.msk [tilespmem:v5+s14+$0x0], $0xffff  }
0x60: {  	s21 =	sadd.s32 $0xFFFFB7FE, s16  }
0x61: {  	v3 =	vadd.s32 s21, v0;
	_ =	sdelay $0x3  }
0x62: {  	[tilespmem:s18+$0x0] =	vst v2  }
0x63: {  	v2 =	vld.idx.msk [tilespmem:v3+s14+$0x0], $0xffff  }
0x64: {  	s21 =	sadd.s32 $0xFFFFB7FF, s16  }
0x65: {  	v3 =	vadd.s32 s21, v0;
	_ =	sdelay $0x2  }
0x66: {  	s21 =	sand.u32 $0x7F0, s17  }
0x67: {  	[tilespmem:s21+$0xA800] =	vst v2  }
0x68: {  	v2 =	vld.idx.msk [tilespmem:v3+s14+$0x0], $0xffff  }
0x69: {  	s22 =	sadd.s32 $0xFFFFB800, s16  }
0x6a: {  	v3 =	vadd.s32 s22, v0;
	_ =	sdelay $0x3  }
0x6b: {  	[tilespmem:s21+$0xB000] =	vst v2  }
0x6c: {  	v2 =	vld.idx.msk [tilespmem:v3+s14+$0x0], $0xffff  }
0x6d: {  	s22 =	sadd.s32 $0xFFFFCFFE, s16  }
0x6e: {  	v3 =	vadd.s32 s22, v0;
	_ =	sdelay $0x3  }
0x6f: {  	[tilespmem:s21+$0xB800] =	vst v2  }
0x70: {  	v2 =	vld.idx.msk [tilespmem:v3+s14+$0x0], $0xffff  }
0x71: {  	s22 =	sadd.s32 $0xFFFFCFFF, s16  }
0x72: {  	v3 =	vadd.s32 s22, v0;
	_ =	sdelay $0x3  }
0x73: {  	[tilespmem:s21+$0xC000] =	vst v2  }
0x74: {  	v2 =	vld.idx.msk [tilespmem:v3+s14+$0x0], $0xffff  }
0x75: {  	s22 =	sadd.s32 $0xFFFFD000, s16  }
0x76: {  	v3 =	vadd.s32 s22, v0;
	_ =	sdelay $0x3  }
0x77: {  	[tilespmem:s21+$0xC800] =	vst v2  }
0x78: {  	v2 =	vld.idx.msk [tilespmem:v3+s14+$0x0], $0xffff  }
0x79: {  	s22 =	sadd.s32 $0xFFFFE7FE, s16  }
0x7a: {  	v3 =	vadd.s32 s22, v0;
	_ =	sdelay $0x3  }
0x7b: {  	[tilespmem:s21+$0xD000] =	vst v2  }
0x7c: {  	v2 =	vld.idx.msk [tilespmem:v3+s14+$0x0], $0xffff  }
0x7d: {  	s22 =	sadd.s32 $0xFFFFE7FF, s16  }
0x7e: {  	v3 =	vadd.s32 s22, v0;
	_ =	sdelay $0x3  }
0x7f: {  	[tilespmem:s21+$0xD800] =	vst v2  }
0x80: {  	v2 =	vld.idx.msk [tilespmem:v3+s14+$0x0], $0xffff  }
0x81: {  	s22 =	sadd.s32 $0xFFFFE800, s16  }
0x82: {  	v3 =	vadd.s32 s22, v0;
	_ =	sdelay $0x3  }
0x83: {  	[tilespmem:s21+$0xE000] =	vst v2  }
0x84: {  	v2 =	vld.idx.msk [tilespmem:v3+s14+$0x0], $0xffff  }
0x85: {  	s22 =	sadd.s32 $0xFFFFFFFE, s16  }
0x86: {  	v3 =	vadd.s32 s22, v0;
	_ =	sdelay $0x3  }
0x87: {  	[tilespmem:s21+$0xE800] =	vst v2  }
0x88: {  	v2 =	vld.idx.msk [tilespmem:v3+s14+$0x0], $0xffff  }
0x89: {  	s22 =	sadd.s32 $0xFFFFFFFF, s16  }
0x8a: {  	v3 =	vadd.s32 s22, v0;
	_ =	sdelay $0x3  }
0x8b: {  	[tilespmem:s21+$0xF000] =	vst v2  }
0x8c: {  	v2 =	vld.idx.msk [tilespmem:v3+s14+$0x0], $0xffff;
	_ =	sdelay $0x1  }
0x8d: {  	v3 =	vadd.s32 s16, v0;
	s16 =	smov.u32 s20;
	_ =	sdelay $0x3  }
0x8e: {  	[tilespmem:s21+$0xF800] =	vst v2  }
0x8f: {  	v3 =	vld.idx.msk [tilespmem:v3+s14+$0x0], $0xffff  }
.Ltmp0:
0x90: {  	s20 =	sadd.s32 $0xFFFF9FFE, s16;
	(pc) =	sbr.rel @p0 .LBB2_2-.Ltmp0, $2  }
0x91: {  	v2 =	vadd.s32 s20, v0;
	_ =	sdelay $0x2  }
0x92: {  	s18 =	sadd.s32 $0x10, s18;
	s22 =	smov.u32 s19  }
0x93: {  	_ =	sdelay $0x2  }
0x94: {  	[tilespmem:s21+$0x10000] =	vst v3  }
0x95: {  	s19 =	sadd.s32 $0xFFFF9FFF, s16;
	v3 =	vld.idx.msk [tilespmem:v2+s10+$0x0], $0xffff  }
0x96: {  	v4 =	vadd.s32 s19, v0;
	_ =	sdelay $0x2  }
0x97: {  	s15 =	sadd.s32 $0x10, s15  }
0x98: {  	[tilespmem:s15+$0xFFFFF000] =	vst v3  }
0x99: {  	s31 =	sadd.s32 $0xFFFFA000, s16;
	v3 =	vld.idx.msk [tilespmem:v4+s10+$0x0], $0xffff  }
0x9a: {  	v5 =	vadd.s32 s31, v0;
	_ =	sdelay $0x3  }
0x9b: {  	[tilespmem:s15+$0xFFFFF800] =	vst v3  }
0x9c: {  	v3 =	vld.idx.msk [tilespmem:v5+s10+$0x0], $0xffff;
	_ =	sdelay $0x4  }
0x9d: {  	[tilespmem:s15+$0x0] =	vst v3  }
0x9e: {  	v2 =	vld.idx.msk [tilespmem:v2+s14+$0x0], $0xffff;
	_ =	sdelay $0x4  }
0x9f: {  	[tilespmem:s18+$0xFFFFF000] =	vst v2  }
0xa0: {  	v2 =	vld.idx.msk [tilespmem:v4+s14+$0x0], $0xffff;
	_ =	sdelay $0x4  }
0xa1: {  	[tilespmem:s18+$0xFFFFF800] =	vst v2  }
0xa2: {  	s19 =	sadd.s32 $0xFFFFB7FE, s16;
	v2 =	vld.idx.msk [tilespmem:v5+s14+$0x0], $0xffff  }
0xa3: {  	v3 =	vadd.s32 s19, v0;
	_ =	sdelay $0x3  }
0xa4: {  	[tilespmem:s18+$0x0] =	vst v2  }
0xa5: {  	s20 =	sadd.s32 $0xFFFFB7FF, s16;
	v2 =	vld.idx.msk [tilespmem:v3+s14+$0x0], $0xffff  }
0xa6: {  	v3 =	vadd.s32 s20, v0;
	_ =	sdelay $0x1  }
0xa7: {  	s21 =	sadd.s32 $0x10, s17  }
0xa8: {  	s15 =	sand.u32 $0x7F0, s21  }
0xa9: {  	[tilespmem:s15+$0xA800] =	vst v2  }
0xaa: {  	s22 =	sadd.s32 $0xFFFFB800, s16;
	v2 =	vld.idx.msk [tilespmem:v3+s14+$0x0], $0xffff  }
0xab: {  	v3 =	vadd.s32 s22, v0;
	_ =	sdelay $0x3  }
0xac: {  	[tilespmem:s15+$0xB000] =	vst v2  }
0xad: {  	s23 =	sadd.s32 $0xFFFFCFFE, s16;
	v2 =	vld.idx.msk [tilespmem:v3+s14+$0x0], $0xffff  }
0xae: {  	v3 =	vadd.s32 s23, v0;
	_ =	sdelay $0x3  }
0xaf: {  	[tilespmem:s15+$0xB800] =	vst v2  }
0xb0: {  	s24 =	sadd.s32 $0xFFFFCFFF, s16;
	v2 =	vld.idx.msk [tilespmem:v3+s14+$0x0], $0xffff  }
0xb1: {  	v3 =	vadd.s32 s24, v0;
	_ =	sdelay $0x3  }
0xb2: {  	[tilespmem:s15+$0xC000] =	vst v2  }
0xb3: {  	s25 =	sadd.s32 $0xFFFFD000, s16;
	v2 =	vld.idx.msk [tilespmem:v3+s14+$0x0], $0xffff  }
0xb4: {  	v3 =	vadd.s32 s25, v0;
	_ =	sdelay $0x3  }
0xb5: {  	[tilespmem:s15+$0xC800] =	vst v2  }
0xb6: {  	s26 =	sadd.s32 $0xFFFFE7FE, s16;
	v2 =	vld.idx.msk [tilespmem:v3+s14+$0x0], $0xffff  }
0xb7: {  	v3 =	vadd.s32 s26, v0;
	_ =	sdelay $0x3  }
0xb8: {  	[tilespmem:s15+$0xD000] =	vst v2  }
0xb9: {  	s28 =	sadd.s32 $0xFFFFE7FF, s16;
	v2 =	vld.idx.msk [tilespmem:v3+s14+$0x0], $0xffff  }
0xba: {  	v3 =	vadd.s32 s28, v0;
	_ =	sdelay $0x3  }
0xbb: {  	[tilespmem:s15+$0xD800] =	vst v2  }
0xbc: {  	s29 =	sadd.s32 $0xFFFFE800, s16;
	v2 =	vld.idx.msk [tilespmem:v3+s14+$0x0], $0xffff  }
0xbd: {  	v3 =	vadd.s32 s29, v0;
	_ =	sdelay $0x3  }
0xbe: {  	[tilespmem:s15+$0xE000] =	vst v2  }
0xbf: {  	s30 =	sadd.s32 $0xFFFFFFFE, s16;
	v2 =	vld.idx.msk [tilespmem:v3+s14+$0x0], $0xffff  }
0xc0: {  	v3 =	vadd.s32 s30, v0;
	_ =	sdelay $0x3  }
0xc1: {  	[tilespmem:s15+$0xE800] =	vst v2  }
0xc2: {  	s31 =	sadd.s32 $0xFFFFFFFF, s16;
	v2 =	vld.idx.msk [tilespmem:v3+s14+$0x0], $0xffff  }
0xc3: {  	v3 =	vadd.s32 s31, v0;
	_ =	sdelay $0x3  }
0xc4: {  	[tilespmem:s15+$0xF000] =	vst v2  }
0xc5: {  	v2 =	vld.idx.msk [tilespmem:v3+s14+$0x0], $0xffff  }
0xc6: {  	v3 =	vadd.s32 s16, v0;
	_ =	sdelay $0x3  }
0xc7: {  	[tilespmem:s15+$0xF800] =	vst v2  }
0xc8: {  	v4 =	vld.idx.msk [tilespmem:v3+s14+$0x0], $0xffff;
	_ =	sdelay $0x3  }
0xc9: {  	v22 =	vimm.s32 $0x0;
	v29 =	vimm.s32 $0x0;
	v25 =	vimm.s32 $0x0  }
0xca: {  	v2 =	vimm.s32 $0x0;
	v3 =	vimm.s32 $0x0;
	[tilespmem:s15+$0x10000] =	vst v4;
	v4 =	vimm.s32 $0x0;
	s15 =	simm.s32 $0x0  }
.LBB2_4:
0xcb: {  	s17 =	simm.s32 $0x9800  }
0xcc: {  	s18 =	sand.u32 $0x7F0, s14;
	v26 =	vld [tilespmem:s17+$0x800]  }
0xcd: {  	v27 =	vld [tilespmem:s18+$0x10000]  }
0xce: {  	v28 =	vld [tilespmem:s18+$0xD000]  }
0xcf: {  	s28 =	simm.s32 $0x11000;
	v30 =	vld [tilespmem:s18+$0xB800]  }
0xd0: {  	v31 =	vld [tilespmem:s28+$0x800]  }
0xd1: {  	s16 =	sadd.s32 s5, s15;
	v32 =	vld [tilespmem:s18+$0xE800]  }
0xd2: {  	s16 =	smul.u32 $0x3, s16;
	v33 =	vld [tilespmem:s18+$0xF000]  }
0xd3: {  	v34 =	vld [tilespmem:s18+$0xF800]  }
0xd4: {  	v35 =	vld [tilespmem:s28+$0xFFFFF800];
	v23 =	vmov s16  }
0xd5: {  	v36 =	vld [tilespmem:s18+$0xC800]  }
0xd6: {  	v37 =	vld [tilespmem:s18+$0xB000];
	v9 =	vadd.s32 $0x1, v23  }
0xd7: {  	v38 =	vld [tilespmem:s17+$0xFFFFF800];
	v10 =	vadd.s32 $0x2, v23  }
0xd8: {  	v41 =	vld [tilespmem:s17+$0x0]  }
0xd9: {  	v5 =	vld.idx.msk [tilespmem:v23+s10+$0x0], $0xffff  }
0xda: {  	v12 =	vadd.s32 $0x1801, v23;
	v8 =	vld.idx.msk [tilespmem:v23+s14+$0x0], $0xffff  }
0xdb: {  	v13 =	vadd.s32 $0x1802, v23;
	v6 =	vld.idx.msk [tilespmem:v9+s10+$0x0], $0xffff  }
0xdc: {  	v16 =	vadd.s32 $0x3001, v23;
	v7 =	vld.idx.msk [tilespmem:v10+s10+$0x0], $0xffff  }
0xdd: {  	v15 =	vand.u32 $0x7FFFFFFF, v23;
	v17 =	vadd.s32 $0x3002, v23;
	v9 =	vld.idx.msk [tilespmem:v9+s14+$0x0], $0xffff  }
0xde: {  	v18 =	vadd.s32 $0x4800, v15;
	v10 =	vld.idx.msk [tilespmem:v10+s14+$0x0], $0xffff  }
0xdf: {  	v19 =	vadd.s32 $0x4802, v23;
	v12 =	vld.idx.msk [tilespmem:v12+s14+$0x0], $0xffff  }
0xe0: {  	v20 =	vadd.s32 $0x6000, v15;
	v13 =	vld.idx.msk [tilespmem:v13+s14+$0x0], $0xffff  }
0xe1: {  	v21 =	vadd.s32 $0x6001, v23;
	v11 =	vadd.s32 $0x1800, v15;
	v14 =	vadd.s32 $0x3000, v15;
	v15 =	vld.idx.msk [tilespmem:v16+s14+$0x0], $0xffff  }
0xe2: {  	v24 =	vadd.s32 $0x6002, v23;
	v16 =	vld.idx.msk [tilespmem:v17+s14+$0x0], $0xffff  }
0xe3: {  	v17 =	vld.idx.msk [tilespmem:v18+s14+$0x0], $0xffff  }
0xe4: {  	v18 =	vld.idx.msk [tilespmem:v19+s14+$0x0], $0xffff  }
0xe5: {  	v19 =	vld.idx.msk [tilespmem:v20+s14+$0x0], $0xffff  }
0xe6: {  	v20 =	vld.idx.msk [tilespmem:v21+s14+$0x0], $0xffff  }
0xe7: {  	v21 =	vld.idx.msk [tilespmem:v24+s14+$0x0], $0xffff  }
0xe8: {  	v24 =	vld [tilespmem:s28+$0x0]  }
0xe9: {  	v39 =	vld [tilespmem:s18+$0xC000];
	v35 =	vsub.f32 v35, v5;
	v38 =	vsub.f32 v38, v8  }
0xea: {  	v40 =	vld [tilespmem:s18+$0xA800];
	v23 =	vadd.s32 $0x4801, v23;
	v28 =	vsub.f32 v28, v16;
	v26 =	vsub.f32 v26, v10  }
0xeb: {  	v42 =	vld [tilespmem:s18+$0xE000];
	v31 =	vsub.f32 v31, v7;
	v30 =	vsub.f32 v30, v13  }
0xec: {  	v14 =	vld.idx.msk [tilespmem:v14+s14+$0x0], $0xffff;
	v36 =	vsub.f32 v36, v15;
	v37 =	vsub.f32 v37, v12  }
0xed: {  	v11 =	vld.idx.msk [tilespmem:v11+s14+$0x0], $0xffff;
	v41 =	vsub.f32 v41, v9;
	v24 =	vsub.f32 v24, v6  }
0xee: {  	v43 =	vld [tilespmem:s18+$0xD800];
	v32 =	vsub.f32 v32, v18;
	v33 =	vsub.f32 v33, v19;
	v35 =	vmul.f32 v35, v35  }
0xef: {  	v23 =	vld.idx.msk [tilespmem:v23+s14+$0x0], $0xffff;
	v34 =	vsub.f32 v34, v20;
	v38 =	vmul.f32 v38, v38;
	v26 =	vmul.f32 v26, v26  }
0xf0: {  	v27 =	vsub.f32 v27, v21;
	v31 =	vmul.f32 v31, v31;
	v30 =	vmul.f32 v30, v30  }
0xf1: {  	v39 =	vsub.f32 v39, v14;
	v28 =	vmul.f32 v28, v28;
	v36 =	vmul.f32 v36, v36  }
0xf2: {  	v40 =	vsub.f32 v40, v11;
	v37 =	vmul.f32 v37, v37;
	v41 =	vmul.f32 v41, v41  }
0xf3: {  	v47 =	vsub.f32 v43, v17;
	v24 =	vmul.f32 v24, v24;
	v34 =	vmul.f32 v34, v34  }
0xf4: {  	s29 =	sshll.u32 s15, $0x7;
	v33 =	vmul.f32 v33, v33;
	v40 =	vmul.f32 v40, v40;
	v46 =	vsub.f32 v42, v23  }
0xf5: {  	s30 =	sand.u32 $0xF000, s14;
	s16 =	sand.u32 $0x3FFFFF80, s29;
	v45 =	vmul.f32 v39, v39;
	v38 =	vadd.f32 v41, v38;
	v35 =	vadd.f32 v24, v35  }
0xf6: {  	s17 =	sshrl.u32 s30, $0x2;
	s16 =	sadd.s32 $0x12000, s16;
	v27 =	vmul.f32 v27, v27;
	v33 =	vadd.f32 v34, v33;
	v37 =	vadd.f32 v37, v40  }
0xf7: {  	s31 =	sand.u32 $0x70, s14;
	s17 =	sadd.s32 s17, s16;
	v49 =	vmul.f32 v47, v47;
	v34 =	vadd.f32 v36, v45;
	v50 =	vadd.f32 v26, v38  }
0xf8: {  	s17 =	sadd.s32 s31, s17;
	v48 =	vmul.f32 v46, v46;
	v31 =	vadd.f32 v31, v35;
	v30 =	vadd.f32 v30, v37  }
0xf9: {  	v24 =	vld [tilespmem:s17+$0x0];
	v27 =	vadd.f32 v27, v33;
	v28 =	vadd.f32 v28, v34  }
0xfa: {  	v32 =	vmul.f32 v32, v32;
	v26 =	vadd.f32 v48, v49;
	v51 =	vadd.f32 v30, v31  }
0xfb: {  	v34 =	vmul.f32 v30, v31;
	v30 =	vadd.f32 v28, v31;
	v28 =	vmul.f32 v28, v31  }
0xfc: {  	v36 =	vadd.f32 v50, v31;
	v26 =	vadd.f32 v32, v26;
	v33 =	vmul.f32 $5.000000000e-01, v51  }
0xfd: {  	v32 =	vmul.f32 v27, v31;
	v27 =	vadd.f32 v27, v31;
	v30 =	vmul.f32 $5.000000000e-01, v30  }
0xfe: {  	v2 =	vadd.s32 v2, v24;
	v52 =	vadd.f32 v26, v31;
	v53 =	vadd.f32 $-1.250000000e-01, v33  }
0xff: {  	v54 =	vmul.f32 $5.000000000e-01, v27;
	v39 =	vadd.f32 $-5.000000000e-01, v33;
	v55 =	vadd.f32 $-2.000000000e+00, v30  }
0x100: {  	v26 =	vmul.f32 v26, v31;
	v56 =	vadd.f32 $-8.000000000e+00, v30;
	v59 =	vadd.f32 $-1.250000000e-01, v30  }
0x101: {  	v37 =	vmul.f32 $5.000000000e-01, v52;
	v44 =	vadd.f32 $-8.000000000e+00, v54;
	v45 =	vadd.f32 $-5.000000000e-01, v54  }
0x102: {  	v46 =	vadd.f32 $-2.000000000e+00, v54;
	v40 =	vadd.f32 $-1.250000000e-01, v54;
	v27 =	vand.u32 $0x7FFFFFFF, v53  }
0x103: {  	v43 =	vand.u32 $0x7FFFFFFF, v39;
	v58 =	vand.u32 $0x7FFFFFFF, v56;
	v63 =	vand.u32 $0x7FFFFFFF, v59  }
0x104: {  	v38 =	vmul.f32 v27, v53;
	v27 =	vmul.f32 v50, v31;
	v31 =	vadd.f32 $-2.000000000e+00, v33  }
0x105: {  	v57 =	vand.u32 $0x7FFFFFFF, v44;
	v33 =	vadd.f32 $-8.000000000e+00, v33;
	v48 =	vand.u32 $0x7FFFFFFF, v45  }
0x106: {  	v49 =	vand.u32 $0x7FFFFFFF, v46;
	v50 =	vadd.f32 $-5.000000000e-01, v30;
	v30 =	vmul.f32 v48, v45  }
0x107: {  	v62 =	vand.u32 $0x7FFFFFFF, v40;
	v60 =	vmul.f32 v49, v46;
	v35 =	vmul.f32 v57, v44  }
0x108: {  	v54 =	vadd.f32 $-2.000000000e+00, v37;
	v44 =	vmul.f32 v63, v59;
	v40 =	vmul.f32 v62, v40  }
0x109: {  	v57 =	vmul.f32 v43, v39;
	vm0 =	vlt.f32 v38, v34;
	v61 =	vand.u32 $0x7FFFFFFF, v33  }
0x10a: {  	v51 =	vand.u32 $0x7FFFFFFF, v50;
	v47 =	vnsel vm0, $0x0, v24;
	v33 =	vmul.f32 v61, v33  }
0x10b: {  	vm0 =	vlt.f32 v30, v32;
	v30 =	vand.u32 $0x7FFFFFFF, v31;
	vm1 =	vlt.f32 v60, v32  }
0x10c: {  	vm3 =	vlt.f32 v40, v32;
	v60 =	vadd.f32 $-5.000000000e-01, v37;
	v25 =	vadd.s32 v25, v47  }
0x10d: {  	v49 =	vnsel vm0, $0x0, v24;
	v31 =	vmul.f32 v30, v31;
	v30 =	vand.u32 $0x7FFFFFFF, v55  }
0x10e: {  	v52 =	vnsel vm3, $0x0, v24;
	v53 =	vnsel vm1, $0x0, v24;
	vm0 =	vlt.f32 v33, v34  }
0x10f: {  	v41 =	vmul.f32 v30, v55;
	v30 =	vmul.f32 v58, v56;
	v55 =	vadd.f32 $-1.250000000e-01, v37  }
0x110: {  	v3 =	vadd.s32 v3, v52;
	v56 =	vand.u32 $0x7FFFFFFF, v54;
	v61 =	vand.u32 $0x7FFFFFFF, v60  }
0x111: {  	v33 =	vnsel vm0, $0x0, v24;
	vm0 =	vlt.f32 v44, v28;
	vm2 =	vlt.f32 v31, v34  }
0x112: {  	v3 =	vadd.s32 v49, v3;
	v40 =	vmul.f32 v56, v54;
	v62 =	vmul.f32 v61, v60  }
0x113: {  	v44 =	vnsel vm0, $0x0, v24;
	vm0 =	vlt.f32 v35, v32;
	v32 =	vmul.f32 v51, v50  }
0x114: {  	v59 =	vand.u32 $0x7FFFFFFF, v55;
	v3 =	vadd.s32 v53, v3;
	v29 =	vadd.s32 v29, v44  }
0x115: {  	v31 =	vnsel vm0, $0x0, v24;
	vm0 =	vlt.f32 v41, v28;
	v63 =	vmul.f32 v59, v55  }
0x116: {  	v41 =	vnsel vm0, $0x0, v24;
	vm0 =	vlt.f32 v32, v28;
	v3 =	vadd.s32 v31, v3  }
0x117: {  	p0 =	por $0x1, $0x1;
	v31 =	vnsel vm2, $0x0, v24;
	v32 =	vmul.f32 $5.000000000e-01, v36;
	v58 =	vnsel vm0, $0x0, v24  }
.Ltmp1:
0x118: {  	vm0 =	vlt.f32 v57, v34;
	vm1 =	vlt.f32 v63, v26;
	v29 =	vadd.s32 v58, v29;
	(pc) =	sbr.rel @!p0 .LBB2_6-.Ltmp1, $4  }
0x119: {  	v34 =	vnsel vm0, $0x0, v24;
	vm0 =	vlt.f32 v62, v26;
	v35 =	vadd.f32 $-2.000000000e+00, v32  }
0x11a: {  	v36 =	vnsel vm1, $0x0, v24;
	v29 =	vadd.s32 v41, v29;
	v25 =	vadd.s32 v34, v25  }
0x11b: {  	s19 =	simm.s32 $0x9810;
	v34 =	vadd.f32 $-8.000000000e+00, v32;
	v25 =	vadd.s32 v31, v25;
	v31 =	vadd.f32 $-8.000000000e+00, v37  }
0x11c: {  	s20 =	simm.s32 $0x0;
	s18 =	simm.s32 $0x11010;
	s17 =	simm.s32 $0x10;
	v25 =	vadd.s32 v33, v25;
	v33 =	vnsel vm0, $0x0, v24;
	vm0 =	vlt.f32 v40, v26  }
.LBB2_5:
0x11d: {  	p0 =	sne.s32 s17, $0x7F0  }
0x11e: {  	v37 =	vld [tilespmem:s18+$0x0];
	vm1 =	vlt.f32 v30, v28;
	v22 =	vadd.s32 v22, v36;
	v28 =	vnsel vm0, $0x0, v24;
	s20 =	sadd.s32 $0x200, s20;
	s22 =	smov.u32 s17;
	s17 =	sadd.s32 $0x10, s17  }
0x11f: {  	v30 =	vld [tilespmem:s19+$0x800];
	s21 =	sand.u32 $0x7F0, s22;
	v36 =	vand.u32 $0x7FFFFFFF, v35;
	v38 =	vand.u32 $0x7FFFFFFF, v34;
	v39 =	vnsel vm1, $0x0, v24  }
0x120: {  	v22 =	vadd.s32 v33, v22;
	v40 =	vld [tilespmem:s21+$0x10000];
	v35 =	vmul.f32 v36, v35;
	v34 =	vmul.f32 v38, v34  }
0x121: {  	v36 =	vadd.f32 $-1.250000000e-01, v32;
	v22 =	vadd.s32 v28, v22;
	v28 =	vand.u32 $0x7FFFFFFF, v31;
	v33 =	vld [tilespmem:s21+$0xD000]  }
0x122: {  	v32 =	vadd.f32 $-5.000000000e-01, v32;
	v38 =	vld [tilespmem:s21+$0xB800];
	vm0 =	vlt.f32 v35, v27;
	vm1 =	vlt.f32 v34, v27  }
0x123: {  	s23 =	sand.u32 $0xF000, s20;
	v28 =	vmul.f32 v28, v31;
	v34 =	vld [tilespmem:s18+$0x800];
	v35 =	vsub.f32 v37, v6;
	v37 =	vand.u32 $0x7FFFFFFF, v36  }
0x124: {  	s23 =	sshrl.u32 s23, $0x2;
	v41 =	vnsel vm1, $0x0, v24;
	v31 =	vld [tilespmem:s21+$0xE800];
	v36 =	vmul.f32 v37, v36;
	v37 =	vand.u32 $0x7FFFFFFF, v32  }
0x125: {  	s22 =	sand.u32 $0x70, s22;
	s23 =	sadd.s32 s23, s16;
	v42 =	vld [tilespmem:s21+$0xF000];
	v32 =	vmul.f32 v37, v32;
	v37 =	vnsel vm0, $0x0, v24;
	vm0 =	vlt.f32 v28, v26  }
0x126: {  	s22 =	sadd.s32 s22, s23;
	v26 =	vsub.f32 v33, v16;
	v28 =	vld [tilespmem:s21+$0xF800];
	vm1 =	vlt.f32 v36, v27;
	v33 =	vnsel vm0, $0x0, v24  }
0x127: {  	v30 =	vsub.f32 v30, v10;
	v35 =	vmul.f32 v35, v35;
	v36 =	vld [tilespmem:s22+$0x0];
	v22 =	vadd.s32 v33, v22  }
0x128: {  	v43 =	vnsel vm1, $0x0, v24;
	vm0 =	vlt.f32 v32, v27;
	v33 =	vld [tilespmem:s18+$0xFFFFF800];
	v34 =	vsub.f32 v34, v7  }
0x129: {  	v27 =	vsub.f32 v38, v13;
	v24 =	vnsel vm0, $0x0, v24;
	v32 =	vld [tilespmem:s21+$0xC800];
	v31 =	vsub.f32 v31, v18  }
0x12a: {  	v30 =	vmul.f32 v30, v30;
	v4 =	vadd.s32 v4, v43;
	v38 =	vld [tilespmem:s21+$0xB000];
	v42 =	vsub.f32 v42, v19  }
0x12b: {  	v4 =	vadd.s32 v24, v4;
	v34 =	vmul.f32 v34, v34;
	v43 =	vld [tilespmem:s19+$0xFFFFF800];
	v28 =	vsub.f32 v28, v20  }
0x12c: {  	v27 =	vmul.f32 v27, v27;
	v4 =	vadd.s32 v37, v4;
	v44 =	vld [tilespmem:s21+$0xC000];
	v2 =	vadd.s32 v2, v36;
	v24 =	vmovc v36  }
0x12d: {  	v4 =	vadd.s32 v41, v4;
	v33 =	vsub.f32 v33, v5;
	v36 =	vld [tilespmem:s21+$0xA800];
	v28 =	vmul.f32 v28, v28  }
0x12e: {  	v29 =	vadd.s32 v39, v29;
	v26 =	vmul.f32 v26, v26;
	v37 =	vld [tilespmem:s19+$0x0];
	v32 =	vsub.f32 v32, v15  }
0x12f: {  	v40 =	vsub.f32 v40, v21;
	v31 =	vmul.f32 v31, v31;
	v33 =	vmul.f32 v33, v33;
	v39 =	vld [tilespmem:s21+$0xD800]  }
0x130: {  	v38 =	vsub.f32 v38, v12;
	v41 =	vld [tilespmem:s21+$0xE000]  }
0x131: {  	v33 =	vadd.f32 v35, v33;
	v35 =	vmul.f32 v40, v40  }
0x132: {  	v42 =	vmul.f32 v42, v42;
	v40 =	vsub.f32 v43, v8  }
0x133: {  	v32 =	vmul.f32 v32, v32;
	v43 =	vsub.f32 v44, v14;
	v37 =	vsub.f32 v37, v9  }
0x134: {  	v28 =	vadd.f32 v28, v42;
	v36 =	vsub.f32 v36, v11;
	v40 =	vmul.f32 v40, v40  }
0x135: {  	v42 =	vmul.f32 v43, v43;
	v37 =	vmul.f32 v37, v37;
	v41 =	vsub.f32 v41, v23  }
0x136: {  	v38 =	vmul.f32 v38, v38;
	v35 =	vadd.f32 v35, v28;
	v36 =	vmul.f32 v36, v36  }
0x137: {  	v28 =	vadd.f32 v32, v42;
	v32 =	vsub.f32 v39, v17;
	v39 =	vmul.f32 v41, v41  }
0x138: {  	v36 =	vadd.f32 v38, v36;
	v37 =	vadd.f32 v37, v40  }
0x139: {  	v26 =	vadd.f32 v26, v28;
	v28 =	vmul.f32 v32, v32  }
0x13a: {  	v32 =	vadd.f32 v34, v33;
	v27 =	vadd.f32 v27, v36  }
0x13b: {  	v30 =	vadd.f32 v30, v37;
	v33 =	vadd.f32 v39, v28  }
0x13c: {  	v34 =	vadd.f32 v27, v32;
	v36 =	vmul.f32 v27, v32;
	v27 =	vadd.f32 v26, v32  }
0x13d: {  	v28 =	vmul.f32 v26, v32;
	v26 =	vadd.f32 v31, v33;
	v31 =	vmul.f32 v35, v32  }
0x13e: {  	v33 =	vmul.f32 $5.000000000e-01, v34;
	v34 =	vmul.f32 $5.000000000e-01, v27;
	v27 =	vadd.f32 v35, v32  }
0x13f: {  	v35 =	vadd.f32 v30, v32;
	v37 =	vadd.f32 v26, v32;
	v26 =	vmul.f32 v26, v32  }
0x140: {  	v38 =	vadd.f32 $-1.250000000e-01, v33;
	v39 =	vadd.f32 $-5.000000000e-01, v33;
	v40 =	vmul.f32 $5.000000000e-01, v27  }
0x141: {  	v41 =	vadd.f32 $-2.000000000e+00, v34;
	v42 =	vadd.f32 $-8.000000000e+00, v34;
	v37 =	vmul.f32 $5.000000000e-01, v37  }
0x142: {  	v27 =	vand.u32 $0x7FFFFFFF, v38;
	v43 =	vand.u32 $0x7FFFFFFF, v39;
	v44 =	vadd.f32 $-8.000000000e+00, v40  }
0x143: {  	v45 =	vadd.f32 $-5.000000000e-01, v40;
	v46 =	vadd.f32 $-2.000000000e+00, v40;
	v38 =	vmul.f32 v27, v38  }
0x144: {  	v27 =	vmul.f32 v30, v32;
	v30 =	vadd.f32 $-2.000000000e+00, v33;
	v32 =	vand.u32 $0x7FFFFFFF, v44  }
0x145: {  	v33 =	vadd.f32 $-8.000000000e+00, v33;
	vm0 =	vlt.f32 v38, v36;
	v38 =	vand.u32 $0x7FFFFFFF, v42  }
0x146: {  	v48 =	vand.u32 $0x7FFFFFFF, v45;
	v49 =	vand.u32 $0x7FFFFFFF, v46;
	v47 =	vnsel vm0, $0x0, v24  }
0x147: {  	v40 =	vadd.f32 $-1.250000000e-01, v40;
	v25 =	vadd.s32 v25, v47;
	v47 =	vadd.f32 $-1.250000000e-01, v34  }
0x148: {  	v45 =	vmul.f32 v48, v45;
	v46 =	vmul.f32 v49, v46;
	v34 =	vadd.f32 $-5.000000000e-01, v34  }
0x149: {  	v48 =	vand.u32 $0x7FFFFFFF, v33;
	v49 =	vand.u32 $0x7FFFFFFF, v40;
	v32 =	vmul.f32 v32, v44  }
0x14a: {  	v33 =	vmul.f32 v48, v33;
	vm0 =	vlt.f32 v45, v31;
	v44 =	vand.u32 $0x7FFFFFFF, v47  }
0x14b: {  	v45 =	vand.u32 $0x7FFFFFFF, v30;
	v44 =	vmul.f32 v44, v47;
	v47 =	vnsel vm0, $0x0, v24  }
0x14c: {  	vm1 =	vlt.f32 v46, v31;
	v45 =	vmul.f32 v45, v30;
	vm0 =	vlt.f32 v33, v36  }
0x14d: {  	v30 =	vand.u32 $0x7FFFFFFF, v41;
	v33 =	vnsel vm0, $0x0, v24;
	vm0 =	vlt.f32 v44, v28  }
0x14e: {  	v40 =	vmul.f32 v49, v40;
	v41 =	vmul.f32 v30, v41;
	v44 =	vnsel vm0, $0x0, v24  }
0x14f: {  	vm2 =	vlt.f32 v32, v31;
	v30 =	vmul.f32 v38, v42;
	v29 =	vadd.s32 v29, v44  }
0x150: {  	vm3 =	vlt.f32 v40, v31;
	v31 =	vnsel vm2, $0x0, v24;
	vm0 =	vlt.f32 v45, v36  }
0x151: {  	v40 =	vnsel vm1, $0x0, v24;
	v32 =	vand.u32 $0x7FFFFFFF, v34;
	v38 =	vnsel vm3, $0x0, v24  }
0x152: {  	v32 =	vmul.f32 v32, v34;
	v34 =	vadd.f32 $-2.000000000e+00, v37;
	vm1 =	vlt.f32 v41, v28  }
0x153: {  	v42 =	vadd.f32 $-1.250000000e-01, v37;
	v3 =	vadd.s32 v3, v38;
	v41 =	vnsel vm1, $0x0, v24  }
0x154: {  	v3 =	vadd.s32 v47, v3;
	vm1 =	vlt.f32 v32, v28;
	v32 =	vand.u32 $0x7FFFFFFF, v34  }
0x155: {  	v38 =	vmul.f32 v43, v39;
	v39 =	vnsel vm1, $0x0, v24;
	v34 =	vmul.f32 v32, v34  }
0x156: {  	v32 =	vadd.f32 $-5.000000000e-01, v37;
	v29 =	vadd.s32 v39, v29;
	v39 =	vand.u32 $0x7FFFFFFF, v42  }
0x157: {  	v3 =	vadd.s32 v40, v3;
	vm1 =	vlt.f32 v38, v36;
	v29 =	vadd.s32 v41, v29  }
0x158: {  	v3 =	vadd.s32 v31, v3;
	v36 =	vnsel vm1, $0x0, v24;
	v38 =	vand.u32 $0x7FFFFFFF, v32  }
.Ltmp2:
0x159: {  	v31 =	vnsel vm0, $0x0, v24;
	v25 =	vadd.s32 v36, v25;
	v36 =	vmul.f32 v38, v32;
	(pc) =	sbr.rel @p0 .LBB2_5-.Ltmp2, $4  }
0x15a: {  	v32 =	vmul.f32 $5.000000000e-01, v35;
	v25 =	vadd.s32 v31, v25;
	v35 =	vmul.f32 v39, v42  }
0x15b: {  	v31 =	vadd.f32 $-8.000000000e+00, v37;
	v25 =	vadd.s32 v33, v25;
	vm0 =	vlt.f32 v36, v26  }
0x15c: {  	vm1 =	vlt.f32 v35, v26;
	v33 =	vnsel vm0, $0x0, v24;
	vm0 =	vlt.f32 v34, v26  }
0x15d: {  	s18 =	sadd.s32 $0x10, s18;
	s19 =	sadd.s32 $0x10, s19;
	v35 =	vadd.f32 $-2.000000000e+00, v32;
	v34 =	vadd.f32 $-8.000000000e+00, v32;
	v36 =	vnsel vm1, $0x0, v24  }
.LBB2_6:
0x15e: {  	vm1 =	vlt.f32 v30, v28  }
0x15f: {  	v5 =	vadd.s32 v22, v36;
	v7 =	vadd.f32 $-1.250000000e-01, v32;
	v8 =	vnsel vm0, $0x0, v24  }
0x160: {  	v9 =	vadd.f32 $-5.000000000e-01, v32;
	v62 =	vand.u32 $0x7FFFFFFF, v31;
	v6 =	vand.u32 $0x7FFFFFFF, v35  }
0x161: {  	v10 =	vand.u32 $0x7FFFFFFF, v34;
	v5 =	vadd.s32 v33, v5;
	v11 =	vand.u32 $0x7FFFFFFF, v7  }
0x162: {  	v6 =	vmul.f32 v6, v35;
	v60 =	vand.u32 $0x7FFFFFFF, v9;
	v7 =	vmul.f32 v11, v7  }
0x163: {  	s15 =	sadd.s32 $0x1, s15;
	v12 =	vnsel vm1, $0x0, v24;
	v10 =	vmul.f32 v10, v34;
	v61 =	vmul.f32 v60, v9  }
0x164: {  	p0 =	sne.s32 s15, $0x8;
	v5 =	vadd.s32 v8, v5;
	vm11 =	vlt.f32 v6, v27;
	vm12 =	vlt.f32 v7, v27  }
.Ltmp3:
0x165: {  	v6 =	vmul.f32 v62, v31;
	vm13 =	vlt.f32 v61, v27;
	v7 =	vnsel vm12, $0x0, v24;
	(pc) =	sbr.rel @p0 .LBB2_4-.Ltmp3, $4  }
0x166: {  	vm14 =	vlt.f32 v10, v27;
	v8 =	vnsel vm13, $0x0, v24;
	v4 =	vadd.s32 v4, v7  }
0x167: {  	vm15 =	vlt.f32 v6, v26;
	v7 =	vnsel vm11, $0x0, v24;
	v4 =	vadd.s32 v8, v4  }
0x168: {  	v6 =	vnsel vm14, $0x0, v24;
	v63 =	vnsel vm15, $0x0, v24;
	v4 =	vadd.s32 v7, v4  }
0x169: {  	v29 =	vadd.s32 v12, v29;
	v22 =	vadd.s32 v63, v5;
	v4 =	vadd.s32 v6, v4  }
0x16a: {  	v4 =	vcvt.s32.f32 v4;
	[tilespmem:$0x16300] =	vst v1  }
0x16b: {  	v5 =	vcvt.s32.f32 v25;
	[tilespmem:$0x16380] =	vst v1  }
0x16c: {  	v62 =	vcvt.s32.f32 v29;
	[tilespmem:$0x16000] =	vst v4  }
0x16d: {  	v63 =	vcvt.s32.f32 v22;
	[tilespmem:$0x16080] =	vst v5  }
0x16e: {  	v3 =	vcvt.s32.f32 v3;
	[tilespmem:$0x16100] =	vst v62  }
0x16f: {  	v2 =	vcvt.s32.f32 v2;
	s13 =	sadd.s32 $0x1, s13;
	[tilespmem:$0x16180] =	vst v63  }
0x170: {  	p0 =	sne.s32 s13, s8;
	[tilespmem:$0x16200] =	vst v3  }
.Ltmp4:
0x171: {  	[tilespmem:$0x16280] =	vst v2;
	(pc) =	sbr.rel @p0 .LBB2_1-.Ltmp4, $4  }
0x172: {  	[hbm4b:s7+s3] =	stream.linear.scatter [tilespmem:s12], [sflag:$0x1], $0x400, $0x38;
	[tilespmem:$0x16400] =	vst v63  }
0x173: {  	_ =	swait.ge [sflag:s9], $0x400  }
0x174: {  	[sflag:s9] =	ssyncset.done $0x0  }
0x175: {  	[sflag:s9] =	ssyncadd.s32 $0xFFFFFC00  }
0x176: {  	_ =	sfence.sel $0x180000  }
0x177: {  	[bflag:$0x0] =	sbarrier.arrive $0xFFFF  }
0x178: {  	p0 =	sne.s32 s2, $0x0;
	_ =	strace $0x90000047  }
0x179: {  	s0 =	sadd.s32 @!p0 $0x100000, s0;
	[bflag:$0x2] =	sbarrier.arrive $0xFFFF  }
0x17a: {  	[sflag:s0] =	ssyncadd.tile.s32 @!p0 $0x1;
	_ =	shalt  }
.Lfunc_end2:
_tile_overlayer_lowered:
.L_overlay_start_2:
0x17b: {  	(tag) =	ssettag $0x2  }
0x17c: {  	s0 =	rddreg [dreg:$0x0];
	s2 =	stileid.u32  }
0x17d: {  	s1 =	rddreg [dreg:$0x1];
	p0 =	sne.s32 s2, $0x0  }
0x17e: {  	s3 =	rddreg [dreg:$0x2];
	[bflag:$0x3] =	sbarrier.arrive $0xFFFF;
	s2 =	simm.s32 @!p0 $0x1C01  }
0x17f: {  	[timem:s3], [sflag:s2] =	dma.local @!p0 [hbm:s0], s1  }
0x180: {  	s0 =	simm.s32 @!p0 $0x1  }
0x181: {  	_ =	swait.ge @!p0 [sflag:s0], s1  }
0x182: {  	s1 =	ssub.s32 @!p0 $0x0, s1;
	[sflag:s0] =	ssyncset.done @!p0 $0x0  }
0x183: {  	[sflag:s0] =	ssyncadd.s32 @!p0 s1  }
0x184: {  	[bflag:$0x3] =	sbarrier.arrive $0xFFFF  }
0x185: {  	_ =	shalt  }

</sc_bundles>
